<compile_context>
chip_gen: v7x
topology: tpu7x:2x2x1
jax: 0.10.2.dev20260603
libtpu: 0.0.44.dev20260713+nightly
codegen_flags: <defaults>
</compile_context>

<pallas_src>
import functools

import jax
import jax.numpy as jnp
from jax import lax
from jax.experimental import pallas as pl
from jax.experimental.pallas import tpu as pltpu
from jax.experimental.pallas import tpu_sc as plsc

N = 512
H = 128
CUTOFF = 0.3
PPP = 2.0
INV_TWO_SIGMA_SQ = 2.0
REG = 0.01

_NC = 1
_NS = 16
_L = 16
_CB = 128
_NCB = N // _CB
_RG = (_NC * _NS) // _NCB
_SC_ROWS = 64
_TC_ROWS = N - _SC_ROWS
_RPW = _SC_ROWS // _RG
_CHUNKS = _CB // _L


def _masked_sens(d):
    r = 1.0 / d - 1.0
    s = jnp.exp(r * r * -INV_TWO_SIGMA_SQ)
    return jnp.where(d < CUTOFF, s, 0.0)


def _sc_partial_colsums(dist):
    mesh = plsc.VectorSubcoreMesh(core_axis_name="c", subcore_axis_name="s",
                                  num_cores=_NC)

    @functools.partial(
        pl.kernel,
        out_type=jax.ShapeDtypeStruct((_RG * N,), jnp.float32),
        mesh=mesh,
        scratch_types=[
            pltpu.VMEM((_RPW, _CB), jnp.float32),
            pltpu.VMEM((_CB,), jnp.float32),
        ],
    )
    def k(dist_hbm, part_hbm, buf, acc_v):
        wid = lax.axis_index("s") * _NC + lax.axis_index("c")
        cb = wid // _RG
        rg = wid % _RG
        pltpu.sync_copy(
            dist_hbm.at[pl.ds(_TC_ROWS + rg * _RPW, _RPW),
                        pl.ds(cb * _CB, _CB)], buf)

        def body(i, accs):
            return tuple(accs[c] + _masked_sens(buf[i, pl.ds(c * _L, _L)])
                         for c in range(_CHUNKS))

        accs = lax.fori_loop(
            0, _RPW, body,
            tuple(jnp.zeros((_L,), jnp.float32) for _ in range(_CHUNKS)),
        )
        for c in range(_CHUNKS):
            acc_v[pl.ds(c * _L, _L)] = accs[c]
        pltpu.sync_copy(acc_v, part_hbm.at[pl.ds(rg * N + cb * _CB, _CB)])

    return k(dist)


def _tc_dense_body(geom_ref, w1_ref, b1_ref, w2_ref, dist_lo_ref,
                   m_ref, colsum_ref, wtc_ref):
    x = jnp.dot(geom_ref[...], w1_ref[...],
                preferred_element_type=jnp.float32) + b1_ref[...]
    z_on = jnp.maximum(x, 0.0) + jnp.log1p(jnp.exp(-jnp.abs(x)))
    m_ref[...] = jnp.dot(z_on, w2_ref[...],
                         preferred_element_type=jnp.float32)
    colsum_ref[...] = jnp.sum(z_on, axis=0, keepdims=True)
    wtc_ref[...] = jnp.sum(_masked_sens(dist_lo_ref[...]),
                           axis=0, keepdims=True)


def _tc_dense(geom, W1, B1, W2, dist):
    return pl.pallas_call(
        _tc_dense_body,
        grid=(1,),
        in_specs=[
            pl.BlockSpec((N, H), lambda i: (0, 0)),
            pl.BlockSpec((H, H), lambda i: (0, 0)),
            pl.BlockSpec((1, H), lambda i: (0, 0)),
            pl.BlockSpec((H, H), lambda i: (0, 0)),
            pl.BlockSpec((_TC_ROWS, N), lambda i: (0, 0)),
        ],
        out_specs=(
            pl.BlockSpec((N, H), lambda i: (0, 0)),
            pl.BlockSpec((1, H), lambda i: (0, 0)),
            pl.BlockSpec((1, N), lambda i: (0, 0)),
        ),
        out_shape=(
            jax.ShapeDtypeStruct((N, H), jnp.float32),
            jax.ShapeDtypeStruct((1, H), jnp.float32),
            jax.ShapeDtypeStruct((1, N), jnp.float32),
        ),
    )(geom, W1, B1.reshape(1, H), W2, dist)


def _tc_combine_body(m_ref, colsum_ref, b2_ref, wp_ref, wtc_ref,
                     ppp_ref, loss_ref):
    wp = wp_ref[...].reshape(_RG, _NCB, _CB)
    w = jnp.sum(wp, axis=0)
    u = jnp.zeros((1, H), jnp.float32)
    sw = jnp.zeros((), jnp.float32)
    for cb in range(_NCB):
        wcb = w[cb:cb + 1, :] + wtc_ref[0:1, pl.ds(cb * _CB, _CB)]
        sw = sw + jnp.sum(wcb)
        u = u + jnp.dot(wcb, m_ref[pl.ds(cb * _CB, _CB), :],
                        preferred_element_type=jnp.float32)
    corr = colsum_ref[...] + u + sw * b2_ref[...]
    ppp_ref[...] = PPP + corr
    loss_ref[...] = REG * jnp.sqrt(jnp.sum(corr * corr, keepdims=True))


def _tc_combine(M, colsum, B2, w_partials, wtc):
    ppp, loss = pl.pallas_call(
        _tc_combine_body,
        out_shape=(
            jax.ShapeDtypeStruct((1, H), jnp.float32),
            jax.ShapeDtypeStruct((1, 1), jnp.float32),
        ),
    )(M, colsum, B2.reshape(1, H), w_partials.reshape(_RG * _NCB, _CB), wtc)
    return ppp.reshape(H), loss.reshape(())


def kernel(geom_array, dist_matrix, W1, B1, W2, B2):
    w_partials = _sc_partial_colsums(dist_matrix)
    M, colsum, wtc = _tc_dense(geom_array, W1, B1, W2, dist_matrix)
    return _tc_combine(M, colsum, B2, w_partials, wtc)

# --- scband reference (transcript-rebuilt; emitter-appended) ---
"""Pipeline reference for scband-dynamic-network-32134945309414 (READ-ONLY COPY).

The authoritative reference and input builder live on the scoring server;
editing this copy changes nothing except your own understanding.
"""

import jax, jax.numpy as jnp
import numpy as np

N = 512
F = 128
H = 128
CUTOFF = 0.3
PPP = 2.0
MU = 1.0
SIGMA = 0.5
REG = 0.01


def setup_inputs(seed: int = 0) -> dict:
    key = jax.random.key(seed)
    k1, k2, k3, k4 = jax.random.split(key, 4)
    geom_array = jax.random.normal(k1, (N, F), dtype=jnp.float32)
    dist_matrix = jax.random.uniform(k2, (N, N), dtype=jnp.float32)
    # learned params: on-site layer (W1, B1) and interaction layer (W2, B2)
    W1 = jax.random.normal(k3, (F, H), dtype=jnp.float32)
    B1 = jnp.zeros((H,), dtype=jnp.float32)
    W2 = jax.random.normal(k4, (H, H), dtype=jnp.float32)
    B2 = jnp.zeros((H,), dtype=jnp.float32)
    return {"geom_array": geom_array, "dist_matrix": dist_matrix,
            "W1": W1, "B1": B1, "W2": W2, "B2": B2}


def reference(geom_array, dist_matrix, W1, B1, W2, B2):
    z = geom_array.astype(jnp.float32)
    # OnSiteLayer: softplus(z @ W1 + B1)
    z_on = jax.nn.softplus(z @ W1 + B1)
    # InteractionLayer (vectorized over the i,j double loop):
    # z_inter[i] = sum_j [dist[i,j] < cutoff] * sens(dist[i,j]) * (z_on[j] @ W2 + B2)
    msg = z_on @ W2 + B2  # [N, H]
    sens = jnp.exp(-((1.0 / dist_matrix - 1.0 / MU) ** 2) / (2.0 * SIGMA ** 2))
    S = jnp.where(dist_matrix < CUTOFF, sens, 0.0)  # [N, N]
    z_inter = S @ msg  # [N, H]
    z_combined = z_on + z_inter
    correction = jnp.sum(z_combined, axis=0)  # [H]
    corrected_ppp = PPP + correction
    reg_loss = REG * jnp.linalg.norm(correction)
    return corrected_ppp, reg_loss

if __name__ == "__main__":
    import jax
    _d = setup_inputs()
    print(jax.jit(kernel)(*tuple(_d.values())))

</pallas_src>

<mosaic_0001>
#map = affine_map<(d0, d1) -> (0, 0)>
#map1 = affine_map<(d0, d1) -> (0)>
module attributes {stable_mosaic.version = 14 : i64} {
  func.func @k(%arg0: i32, %arg1: i32, %arg2: memref<512x512xf32, #tpu.memory_space<hbm>>, %arg3: memref<2048xf32, #tpu.memory_space<hbm>>, %arg4: memref<16x128xf32, #tpu.memory_space<vmem>>, %arg5: memref<128xf32, #tpu.memory_space<vmem>>) attributes {dimension_semantics = [#tpu.dimension_semantics<core_parallel>, #tpu.dimension_semantics<subcore_parallel>], iteration_bounds = array<i64: 1, 16>, scalar_prefetch = 0 : i64, scratch_operands = 2 : i64, tpu.core_type = #tpu.core_type<sc_vector_subcore>, window_params = [{transform_indices = #map}, {transform_indices = #map1}]} {
    %mul3A = arith.constant 1 : i32
    %mul3A_0 = arith.muli %arg1, %mul3A : i32
    %add3A = arith.addi %mul3A_0, %arg0 : i32
    %jit3A = arith.constant 4 : i32
    %div3A = arith.divsi %add3A, %jit3A : i32
    %sign3A = arith.constant 0 : i32
    %sign3A_1 = arith.cmpi sgt, %add3A, %sign3A : i32
    %sign3A_2 = arith.extui %sign3A_1 : i1 to i32
    %sign3A_3 = arith.constant 0 : i32
    %sign3A_4 = arith.cmpi slt, %add3A, %sign3A_3 : i32
    %sign3A_5 = arith.extui %sign3A_4 : i1 to i32
    %sign3A_6 = arith.subi %sign3A_2, %sign3A_5 : i32
    %sign3A_7 = arith.constant 0 : i32
    %sign3A_8 = arith.cmpi sgt, %jit3A, %sign3A_7 : i32
    %sign3A_9 = arith.extui %sign3A_8 : i1 to i32
    %sign3A_10 = arith.constant 0 : i32
    %sign3A_11 = arith.cmpi slt, %jit3A, %sign3A_10 : i32
    %sign3A_12 = arith.extui %sign3A_11 : i1 to i32
    %sign3A_13 = arith.subi %sign3A_9, %sign3A_12 : i32
    %ne3A = arith.cmpi ne, %sign3A_6, %sign3A_13 : i32
    %rem3A = arith.remsi %add3A, %jit3A : i32
    %ne3A_14 = arith.constant 0 : i32
    %ne3A_15 = arith.cmpi ne, %rem3A, %ne3A_14 : i32
    %and3A = arith.andi %ne3A, %ne3A_15 : i1
    %sub3A = arith.constant 1 : i32
    %sub3A_16 = arith.subi %div3A, %sub3A : i32
    %select_n3A = arith.select %and3A, %sub3A_16, %div3A : i32
    %jit3A_17 = arith.constant 4 : i32
    %eq3A = arith.constant 0 : i32
    %eq3A_18 = arith.cmpi eq, %jit3A_17, %eq3A : i32
    %jit3A_19 = arith.constant 1 : i32
    %select_n3A_20 = arith.select %eq3A_18, %jit3A_19, %jit3A_17 : i32
    %rem3A_21 = arith.remsi %add3A, %select_n3A_20 : i32
    %ne3A_22 = arith.constant 0 : i32
    %ne3A_23 = arith.cmpi ne, %rem3A_21, %ne3A_22 : i32
    %lt3A = arith.constant 0 : i32
    %lt3A_24 = arith.cmpi slt, %rem3A_21, %lt3A : i32
    %lt3A_25 = arith.constant 0 : i32
    %lt3A_26 = arith.cmpi slt, %select_n3A_20, %lt3A_25 : i32
    %ne3A_27 = arith.xori %lt3A_24, %lt3A_26 : i1
    %and3A_28 = arith.andi %ne3A_27, %ne3A_23 : i1
    %add3A_29 = arith.addi %rem3A_21, %select_n3A_20 : i32
    %select_n3A_30 = arith.select %and3A_28, %add3A_29, %rem3A_21 : i32
    %mul3A_31 = arith.constant 16 : i32
    %mul3A_32 = arith.muli %select_n3A_30, %mul3A_31 : i32
    %add3A_33 = arith.constant 448 : i32
    %add3A_34 = arith.addi %add3A_33, %mul3A_32 : i32
    %mul3A_35 = arith.constant 128 : i32
    %mul3A_36 = arith.muli %select_n3A, %mul3A_35 : i32
    "tpu.region"() ({
      %run_scoped3A = tpu.sem_alloc : memref<!tpu.dma_semaphore, #tpu.memory_space<semaphore_mem>>
      %dma_start3A = tpu.memref_slice %arg2[%add3A_34, %mul3A_36] : memref<512x512xf32, #tpu.memory_space<hbm>> -> memref<16x128xf32, #tpu.memory_space<hbm>>
      %dma_start3A_93 = tpu.memref_slice %arg2[%add3A_34, %mul3A_36] : memref<512x512xf32, #tpu.memory_space<hbm>> -> memref<16x128xf32, #tpu.memory_space<hbm>>
      tpu.enqueue_dma source(%dma_start3A_93 : memref<16x128xf32, #tpu.memory_space<hbm>>) target(%arg4 : memref<16x128xf32, #tpu.memory_space<vmem>>) target_semaphore(%run_scoped3A : memref<!tpu.dma_semaphore, #tpu.memory_space<semaphore_mem>>)
      %dma_wait3A = tpu.memref_slice %arg2[%add3A_34, %mul3A_36] : memref<512x512xf32, #tpu.memory_space<hbm>> -> memref<16x128xf32, #tpu.memory_space<hbm>>
      %dma_wait3A_94 = tpu.memref_slice %arg2[%add3A_34, %mul3A_36] : memref<512x512xf32, #tpu.memory_space<hbm>> -> memref<16x128xf32, #tpu.memory_space<hbm>>
      tpu.wait_dma2 semaphore(%run_scoped3A : memref<!tpu.dma_semaphore, #tpu.memory_space<semaphore_mem>>) src(%dma_wait3A_94 : memref<16x128xf32, #tpu.memory_space<hbm>>) dst(%arg4 : memref<16x128xf32, #tpu.memory_space<vmem>>)
      tpu.yield
    }) : () -> ()
    %broadcast_in_dim3A = arith.constant 0.000000e+00 : f32
    %broadcast_in_dim3A_37 = vector.broadcast %broadcast_in_dim3A : f32 to vector<16xf32>
    %broadcast_in_dim3A_38 = arith.constant 0.000000e+00 : f32
    %broadcast_in_dim3A_39 = vector.broadcast %broadcast_in_dim3A_38 : f32 to vector<16xf32>
    %broadcast_in_dim3A_40 = arith.constant 0.000000e+00 : f32
    %broadcast_in_dim3A_41 = vector.broadcast %broadcast_in_dim3A_40 : f32 to vector<16xf32>
    %broadcast_in_dim3A_42 = arith.constant 0.000000e+00 : f32
    %broadcast_in_dim3A_43 = vector.broadcast %broadcast_in_dim3A_42 : f32 to vector<16xf32>
    %broadcast_in_dim3A_44 = arith.constant 0.000000e+00 : f32
    %broadcast_in_dim3A_45 = vector.broadcast %broadcast_in_dim3A_44 : f32 to vector<16xf32>
    %broadcast_in_dim3A_46 = arith.constant 0.000000e+00 : f32
    %broadcast_in_dim3A_47 = vector.broadcast %broadcast_in_dim3A_46 : f32 to vector<16xf32>
    %broadcast_in_dim3A_48 = arith.constant 0.000000e+00 : f32
    %broadcast_in_dim3A_49 = vector.broadcast %broadcast_in_dim3A_48 : f32 to vector<16xf32>
    %broadcast_in_dim3A_50 = arith.constant 0.000000e+00 : f32
    %broadcast_in_dim3A_51 = vector.broadcast %broadcast_in_dim3A_50 : f32 to vector<16xf32>
    %scan3A = arith.constant 0 : i32
    %scan3A_52 = arith.constant 16 : i32
    %scan3A_53 = arith.addi %scan3A, %scan3A_52 : i32
    %scan3A_54 = arith.constant 1 : i32
    %scan3A_55:8 = scf.for %scan3A_93 = %scan3A to %scan3A_53 step %scan3A_54 iter_args(%scan3A_94 = %broadcast_in_dim3A_37, %scan3A_95 = %broadcast_in_dim3A_39, %scan3A_96 = %broadcast_in_dim3A_41, %scan3A_97 = %broadcast_in_dim3A_43, %scan3A_98 = %broadcast_in_dim3A_45, %scan3A_99 = %broadcast_in_dim3A_47, %scan3A_100 = %broadcast_in_dim3A_49, %scan3A_101 = %broadcast_in_dim3A_51) -> (vector<16xf32>, vector<16xf32>, vector<16xf32>, vector<16xf32>, vector<16xf32>, vector<16xf32>, vector<16xf32>, vector<16xf32>)  : i32 {
      %get3A = arith.index_cast %scan3A_93 : i32 to index
      %get3A_102 = arith.constant 0 : index
      %get3A_103 = tpu.vector_load %arg4[%get3A, %get3A_102] {strides = array<i32>} : memref<16x128xf32, #tpu.memory_space<vmem>>, vector<1x16xf32>,
      %get3A_104 = vector.shape_cast %get3A_103 : vector<1x16xf32> to vector<16xf32>
      %div3A_105 = arith.constant 1.000000e+00 : f32
      %div3A_106 = vector.broadcast %div3A_105 : f32 to vector<16xf32>
      %div3A_107 = arith.divf %div3A_106, %get3A_104 : vector<16xf32>
      %sub3A_108 = arith.constant 1.000000e+00 : f32
      %sub3A_109 = vector.broadcast %sub3A_108 : f32 to vector<16xf32>
      %sub3A_110 = arith.subf %div3A_107, %sub3A_109 : vector<16xf32>
      %mul3A_111 = arith.mulf %sub3A_110, %sub3A_110 : vector<16xf32>
      %mul3A_112 = arith.constant -2.000000e+00 : f32
      %mul3A_113 = vector.broadcast %mul3A_112 : f32 to vector<16xf32>
      %mul3A_114 = arith.mulf %mul3A_111, %mul3A_113 : vector<16xf32>
      %exp3A = math.exp %mul3A_114 : vector<16xf32>
      %lt3A_115 = arith.constant 3.000000e-01 : f32
      %lt3A_116 = vector.broadcast %lt3A_115 : f32 to vector<16xf32>
      %lt3A_117 = arith.cmpf olt, %get3A_104, %lt3A_116 : vector<16xf32>
      %jit3A_118 = arith.constant 0.000000e+00 : f32
      %broadcast_in_dim3A_119 = vector.broadcast %jit3A_118 : f32 to vector<16xf32>
      %select_n3A_120 = arith.select %lt3A_117, %exp3A, %broadcast_in_dim3A_119 : vector<16xi1>, vector<16xf32>
      %add3A_121 = arith.addf %scan3A_94, %select_n3A_120 : vector<16xf32>
      %get3A_122 = arith.index_cast %scan3A_93 : i32 to index
      %get3A_123 = arith.constant 16 : index
      %get3A_124 = tpu.vector_load %arg4[%get3A_122, %get3A_123] {strides = array<i32>} : memref<16x128xf32, #tpu.memory_space<vmem>>, vector<1x16xf32>,
      %get3A_125 = vector.shape_cast %get3A_124 : vector<1x16xf32> to vector<16xf32>
      %div3A_126 = arith.constant 1.000000e+00 : f32
      %div3A_127 = vector.broadcast %div3A_126 : f32 to vector<16xf32>
      %div3A_128 = arith.divf %div3A_127, %get3A_125 : vector<16xf32>
      %sub3A_129 = arith.constant 1.000000e+00 : f32
      %sub3A_130 = vector.broadcast %sub3A_129 : f32 to vector<16xf32>
      %sub3A_131 = arith.subf %div3A_128, %sub3A_130 : vector<16xf32>
      %mul3A_132 = arith.mulf %sub3A_131, %sub3A_131 : vector<16xf32>
      %mul3A_133 = arith.constant -2.000000e+00 : f32
      %mul3A_134 = vector.broadcast %mul3A_133 : f32 to vector<16xf32>
      %mul3A_135 = arith.mulf %mul3A_132, %mul3A_134 : vector<16xf32>
      %exp3A_136 = math.exp %mul3A_135 : vector<16xf32>
      %lt3A_137 = arith.constant 3.000000e-01 : f32
      %lt3A_138 = vector.broadcast %lt3A_137 : f32 to vector<16xf32>
      %lt3A_139 = arith.cmpf olt, %get3A_125, %lt3A_138 : vector<16xf32>
      %jit3A_140 = arith.constant 0.000000e+00 : f32
      %broadcast_in_dim3A_141 = vector.broadcast %jit3A_140 : f32 to vector<16xf32>
      %select_n3A_142 = arith.select %lt3A_139, %exp3A_136, %broadcast_in_dim3A_141 : vector<16xi1>, vector<16xf32>
      %add3A_143 = arith.addf %scan3A_95, %select_n3A_142 : vector<16xf32>
      %get3A_144 = arith.index_cast %scan3A_93 : i32 to index
      %get3A_145 = arith.constant 32 : index
      %get3A_146 = tpu.vector_load %arg4[%get3A_144, %get3A_145] {strides = array<i32>} : memref<16x128xf32, #tpu.memory_space<vmem>>, vector<1x16xf32>,
      %get3A_147 = vector.shape_cast %get3A_146 : vector<1x16xf32> to vector<16xf32>
      %div3A_148 = arith.constant 1.000000e+00 : f32
      %div3A_149 = vector.broadcast %div3A_148 : f32 to vector<16xf32>
      %div3A_150 = arith.divf %div3A_149, %get3A_147 : vector<16xf32>
      %sub3A_151 = arith.constant 1.000000e+00 : f32
      %sub3A_152 = vector.broadcast %sub3A_151 : f32 to vector<16xf32>
      %sub3A_153 = arith.subf %div3A_150, %sub3A_152 : vector<16xf32>
      %mul3A_154 = arith.mulf %sub3A_153, %sub3A_153 : vector<16xf32>
      %mul3A_155 = arith.constant -2.000000e+00 : f32
      %mul3A_156 = vector.broadcast %mul3A_155 : f32 to vector<16xf32>
      %mul3A_157 = arith.mulf %mul3A_154, %mul3A_156 : vector<16xf32>
      %exp3A_158 = math.exp %mul3A_157 : vector<16xf32>
      %lt3A_159 = arith.constant 3.000000e-01 : f32
      %lt3A_160 = vector.broadcast %lt3A_159 : f32 to vector<16xf32>
      %lt3A_161 = arith.cmpf olt, %get3A_147, %lt3A_160 : vector<16xf32>
      %jit3A_162 = arith.constant 0.000000e+00 : f32
      %broadcast_in_dim3A_163 = vector.broadcast %jit3A_162 : f32 to vector<16xf32>
      %select_n3A_164 = arith.select %lt3A_161, %exp3A_158, %broadcast_in_dim3A_163 : vector<16xi1>, vector<16xf32>
      %add3A_165 = arith.addf %scan3A_96, %select_n3A_164 : vector<16xf32>
      %get3A_166 = arith.index_cast %scan3A_93 : i32 to index
      %get3A_167 = arith.constant 48 : index
      %get3A_168 = tpu.vector_load %arg4[%get3A_166, %get3A_167] {strides = array<i32>} : memref<16x128xf32, #tpu.memory_space<vmem>>, vector<1x16xf32>,
      %get3A_169 = vector.shape_cast %get3A_168 : vector<1x16xf32> to vector<16xf32>
      %div3A_170 = arith.constant 1.000000e+00 : f32
      %div3A_171 = vector.broadcast %div3A_170 : f32 to vector<16xf32>
      %div3A_172 = arith.divf %div3A_171, %get3A_169 : vector<16xf32>
      %sub3A_173 = arith.constant 1.000000e+00 : f32
      %sub3A_174 = vector.broadcast %sub3A_173 : f32 to vector<16xf32>
      %sub3A_175 = arith.subf %div3A_172, %sub3A_174 : vector<16xf32>
      %mul3A_176 = arith.mulf %sub3A_175, %sub3A_175 : vector<16xf32>
      %mul3A_177 = arith.constant -2.000000e+00 : f32
      %mul3A_178 = vector.broadcast %mul3A_177 : f32 to vector<16xf32>
      %mul3A_179 = arith.mulf %mul3A_176, %mul3A_178 : vector<16xf32>
      %exp3A_180 = math.exp %mul3A_179 : vector<16xf32>
      %lt3A_181 = arith.constant 3.000000e-01 : f32
      %lt3A_182 = vector.broadcast %lt3A_181 : f32 to vector<16xf32>
      %lt3A_183 = arith.cmpf olt, %get3A_169, %lt3A_182 : vector<16xf32>
      %jit3A_184 = arith.constant 0.000000e+00 : f32
      %broadcast_in_dim3A_185 = vector.broadcast %jit3A_184 : f32 to vector<16xf32>
      %select_n3A_186 = arith.select %lt3A_183, %exp3A_180, %broadcast_in_dim3A_185 : vector<16xi1>, vector<16xf32>
      %add3A_187 = arith.addf %scan3A_97, %select_n3A_186 : vector<16xf32>
      %get3A_188 = arith.index_cast %scan3A_93 : i32 to index
      %get3A_189 = arith.constant 64 : index
      %get3A_190 = tpu.vector_load %arg4[%get3A_188, %get3A_189] {strides = array<i32>} : memref<16x128xf32, #tpu.memory_space<vmem>>, vector<1x16xf32>,
      %get3A_191 = vector.shape_cast %get3A_190 : vector<1x16xf32> to vector<16xf32>
      %div3A_192 = arith.constant 1.000000e+00 : f32
      %div3A_193 = vector.broadcast %div3A_192 : f32 to vector<16xf32>
      %div3A_194 = arith.divf %div3A_193, %get3A_191 : vector<16xf32>
      %sub3A_195 = arith.constant 1.000000e+00 : f32
      %sub3A_196 = vector.broadcast %sub3A_195 : f32 to vector<16xf32>
      %sub3A_197 = arith.subf %div3A_194, %sub3A_196 : vector<16xf32>
      %mul3A_198 = arith.mulf %sub3A_197, %sub3A_197 : vector<16xf32>
      %mul3A_199 = arith.constant -2.000000e+00 : f32
      %mul3A_200 = vector.broadcast %mul3A_199 : f32 to vector<16xf32>
      %mul3A_201 = arith.mulf %mul3A_198, %mul3A_200 : vector<16xf32>
      %exp3A_202 = math.exp %mul3A_201 : vector<16xf32>
      %lt3A_203 = arith.constant 3.000000e-01 : f32
      %lt3A_204 = vector.broadcast %lt3A_203 : f32 to vector<16xf32>
      %lt3A_205 = arith.cmpf olt, %get3A_191, %lt3A_204 : vector<16xf32>
      %jit3A_206 = arith.constant 0.000000e+00 : f32
      %broadcast_in_dim3A_207 = vector.broadcast %jit3A_206 : f32 to vector<16xf32>
      %select_n3A_208 = arith.select %lt3A_205, %exp3A_202, %broadcast_in_dim3A_207 : vector<16xi1>, vector<16xf32>
      %add3A_209 = arith.addf %scan3A_98, %select_n3A_208 : vector<16xf32>
      %get3A_210 = arith.index_cast %scan3A_93 : i32 to index
      %get3A_211 = arith.constant 80 : index
      %get3A_212 = tpu.vector_load %arg4[%get3A_210, %get3A_211] {strides = array<i32>} : memref<16x128xf32, #tpu.memory_space<vmem>>, vector<1x16xf32>,
      %get3A_213 = vector.shape_cast %get3A_212 : vector<1x16xf32> to vector<16xf32>
      %div3A_214 = arith.constant 1.000000e+00 : f32
      %div3A_215 = vector.broadcast %div3A_214 : f32 to vector<16xf32>
      %div3A_216 = arith.divf %div3A_215, %get3A_213 : vector<16xf32>
      %sub3A_217 = arith.constant 1.000000e+00 : f32
      %sub3A_218 = vector.broadcast %sub3A_217 : f32 to vector<16xf32>
      %sub3A_219 = arith.subf %div3A_216, %sub3A_218 : vector<16xf32>
      %mul3A_220 = arith.mulf %sub3A_219, %sub3A_219 : vector<16xf32>
      %mul3A_221 = arith.constant -2.000000e+00 : f32
      %mul3A_222 = vector.broadcast %mul3A_221 : f32 to vector<16xf32>
      %mul3A_223 = arith.mulf %mul3A_220, %mul3A_222 : vector<16xf32>
      %exp3A_224 = math.exp %mul3A_223 : vector<16xf32>
      %lt3A_225 = arith.constant 3.000000e-01 : f32
      %lt3A_226 = vector.broadcast %lt3A_225 : f32 to vector<16xf32>
      %lt3A_227 = arith.cmpf olt, %get3A_213, %lt3A_226 : vector<16xf32>
      %jit3A_228 = arith.constant 0.000000e+00 : f32
      %broadcast_in_dim3A_229 = vector.broadcast %jit3A_228 : f32 to vector<16xf32>
      %select_n3A_230 = arith.select %lt3A_227, %exp3A_224, %broadcast_in_dim3A_229 : vector<16xi1>, vector<16xf32>
      %add3A_231 = arith.addf %scan3A_99, %select_n3A_230 : vector<16xf32>
      %get3A_232 = arith.index_cast %scan3A_93 : i32 to index
      %get3A_233 = arith.constant 96 : index
      %get3A_234 = tpu.vector_load %arg4[%get3A_232, %get3A_233] {strides = array<i32>} : memref<16x128xf32, #tpu.memory_space<vmem>>, vector<1x16xf32>,
      %get3A_235 = vector.shape_cast %get3A_234 : vector<1x16xf32> to vector<16xf32>
      %div3A_236 = arith.constant 1.000000e+00 : f32
      %div3A_237 = vector.broadcast %div3A_236 : f32 to vector<16xf32>
      %div3A_238 = arith.divf %div3A_237, %get3A_235 : vector<16xf32>
      %sub3A_239 = arith.constant 1.000000e+00 : f32
      %sub3A_240 = vector.broadcast %sub3A_239 : f32 to vector<16xf32>
      %sub3A_241 = arith.subf %div3A_238, %sub3A_240 : vector<16xf32>
      %mul3A_242 = arith.mulf %sub3A_241, %sub3A_241 : vector<16xf32>
      %mul3A_243 = arith.constant -2.000000e+00 : f32
      %mul3A_244 = vector.broadcast %mul3A_243 : f32 to vector<16xf32>
      %mul3A_245 = arith.mulf %mul3A_242, %mul3A_244 : vector<16xf32>
      %exp3A_246 = math.exp %mul3A_245 : vector<16xf32>
      %lt3A_247 = arith.constant 3.000000e-01 : f32
      %lt3A_248 = vector.broadcast %lt3A_247 : f32 to vector<16xf32>
      %lt3A_249 = arith.cmpf olt, %get3A_235, %lt3A_248 : vector<16xf32>
      %jit3A_250 = arith.constant 0.000000e+00 : f32
      %broadcast_in_dim3A_251 = vector.broadcast %jit3A_250 : f32 to vector<16xf32>
      %select_n3A_252 = arith.select %lt3A_249, %exp3A_246, %broadcast_in_dim3A_251 : vector<16xi1>, vector<16xf32>
      %add3A_253 = arith.addf %scan3A_100, %select_n3A_252 : vector<16xf32>
      %get3A_254 = arith.index_cast %scan3A_93 : i32 to index
      %get3A_255 = arith.constant 112 : index
      %get3A_256 = tpu.vector_load %arg4[%get3A_254, %get3A_255] {strides = array<i32>} : memref<16x128xf32, #tpu.memory_space<vmem>>, vector<1x16xf32>,
      %get3A_257 = vector.shape_cast %get3A_256 : vector<1x16xf32> to vector<16xf32>
      %div3A_258 = arith.constant 1.000000e+00 : f32
      %div3A_259 = vector.broadcast %div3A_258 : f32 to vector<16xf32>
      %div3A_260 = arith.divf %div3A_259, %get3A_257 : vector<16xf32>
      %sub3A_261 = arith.constant 1.000000e+00 : f32
      %sub3A_262 = vector.broadcast %sub3A_261 : f32 to vector<16xf32>
      %sub3A_263 = arith.subf %div3A_260, %sub3A_262 : vector<16xf32>
      %mul3A_264 = arith.mulf %sub3A_263, %sub3A_263 : vector<16xf32>
      %mul3A_265 = arith.constant -2.000000e+00 : f32
      %mul3A_266 = vector.broadcast %mul3A_265 : f32 to vector<16xf32>
      %mul3A_267 = arith.mulf %mul3A_264, %mul3A_266 : vector<16xf32>
      %exp3A_268 = math.exp %mul3A_267 : vector<16xf32>
      %lt3A_269 = arith.constant 3.000000e-01 : f32
      %lt3A_270 = vector.broadcast %lt3A_269 : f32 to vector<16xf32>
      %lt3A_271 = arith.cmpf olt, %get3A_257, %lt3A_270 : vector<16xf32>
      %jit3A_272 = arith.constant 0.000000e+00 : f32
      %broadcast_in_dim3A_273 = vector.broadcast %jit3A_272 : f32 to vector<16xf32>
      %select_n3A_274 = arith.select %lt3A_271, %exp3A_268, %broadcast_in_dim3A_273 : vector<16xi1>, vector<16xf32>
      %add3A_275 = arith.addf %scan3A_101, %select_n3A_274 : vector<16xf32>
      scf.yield %add3A_121, %add3A_143, %add3A_165, %add3A_187, %add3A_209, %add3A_231, %add3A_253, %add3A_275 : vector<16xf32>, vector<16xf32>, vector<16xf32>, vector<16xf32>, vector<16xf32>, vector<16xf32>, vector<16xf32>, vector<16xf32>
    }
    %scan3A_56 = arith.constant 16 : i32
    %swap3A = arith.constant 0 : index
    %swap3A_57 = tpu.vector_load %arg5[%swap3A] {strides = array<i32>} : memref<128xf32, #tpu.memory_space<vmem>>, vector<16xf32>,
    %swap3A_58 = vector.shape_cast %swap3A_57 : vector<16xf32> to vector<16xf32>
    %swap3A_59 = vector.shape_cast %scan3A_55#0 : vector<16xf32> to vector<16xf32>
    tpu.vector_store %arg5[%swap3A], %swap3A_59 {strides = array<i32>} : memref<128xf32, #tpu.memory_space<vmem>>, vector<16xf32>,
    %swap3A_60 = arith.constant 16 : index
    %swap3A_61 = tpu.vector_load %arg5[%swap3A_60] {strides = array<i32>} : memref<128xf32, #tpu.memory_space<vmem>>, vector<16xf32>,
    %swap3A_62 = vector.shape_cast %swap3A_61 : vector<16xf32> to vector<16xf32>
    %swap3A_63 = vector.shape_cast %scan3A_55#1 : vector<16xf32> to vector<16xf32>
    tpu.vector_store %arg5[%swap3A_60], %swap3A_63 {strides = array<i32>} : memref<128xf32, #tpu.memory_space<vmem>>, vector<16xf32>,
    %swap3A_64 = arith.constant 32 : index
    %swap3A_65 = tpu.vector_load %arg5[%swap3A_64] {strides = array<i32>} : memref<128xf32, #tpu.memory_space<vmem>>, vector<16xf32>,
    %swap3A_66 = vector.shape_cast %swap3A_65 : vector<16xf32> to vector<16xf32>
    %swap3A_67 = vector.shape_cast %scan3A_55#2 : vector<16xf32> to vector<16xf32>
    tpu.vector_store %arg5[%swap3A_64], %swap3A_67 {strides = array<i32>} : memref<128xf32, #tpu.memory_space<vmem>>, vector<16xf32>,
    %swap3A_68 = arith.constant 48 : index
    %swap3A_69 = tpu.vector_load %arg5[%swap3A_68] {strides = array<i32>} : memref<128xf32, #tpu.memory_space<vmem>>, vector<16xf32>,
    %swap3A_70 = vector.shape_cast %swap3A_69 : vector<16xf32> to vector<16xf32>
    %swap3A_71 = vector.shape_cast %scan3A_55#3 : vector<16xf32> to vector<16xf32>
    tpu.vector_store %arg5[%swap3A_68], %swap3A_71 {strides = array<i32>} : memref<128xf32, #tpu.memory_space<vmem>>, vector<16xf32>,
    %swap3A_72 = arith.constant 64 : index
    %swap3A_73 = tpu.vector_load %arg5[%swap3A_72] {strides = array<i32>} : memref<128xf32, #tpu.memory_space<vmem>>, vector<16xf32>,
    %swap3A_74 = vector.shape_cast %swap3A_73 : vector<16xf32> to vector<16xf32>
    %swap3A_75 = vector.shape_cast %scan3A_55#4 : vector<16xf32> to vector<16xf32>
    tpu.vector_store %arg5[%swap3A_72], %swap3A_75 {strides = array<i32>} : memref<128xf32, #tpu.memory_space<vmem>>, vector<16xf32>,
    %swap3A_76 = arith.constant 80 : index
    %swap3A_77 = tpu.vector_load %arg5[%swap3A_76] {strides = array<i32>} : memref<128xf32, #tpu.memory_space<vmem>>, vector<16xf32>,
    %swap3A_78 = vector.shape_cast %swap3A_77 : vector<16xf32> to vector<16xf32>
    %swap3A_79 = vector.shape_cast %scan3A_55#5 : vector<16xf32> to vector<16xf32>
    tpu.vector_store %arg5[%swap3A_76], %swap3A_79 {strides = array<i32>} : memref<128xf32, #tpu.memory_space<vmem>>, vector<16xf32>,
    %swap3A_80 = arith.constant 96 : index
    %swap3A_81 = tpu.vector_load %arg5[%swap3A_80] {strides = array<i32>} : memref<128xf32, #tpu.memory_space<vmem>>, vector<16xf32>,
    %swap3A_82 = vector.shape_cast %swap3A_81 : vector<16xf32> to vector<16xf32>
    %swap3A_83 = vector.shape_cast %scan3A_55#6 : vector<16xf32> to vector<16xf32>
    tpu.vector_store %arg5[%swap3A_80], %swap3A_83 {strides = array<i32>} : memref<128xf32, #tpu.memory_space<vmem>>, vector<16xf32>,
    %swap3A_84 = arith.constant 112 : index
    %swap3A_85 = tpu.vector_load %arg5[%swap3A_84] {strides = array<i32>} : memref<128xf32, #tpu.memory_space<vmem>>, vector<16xf32>,
    %swap3A_86 = vector.shape_cast %swap3A_85 : vector<16xf32> to vector<16xf32>
    %swap3A_87 = vector.shape_cast %scan3A_55#7 : vector<16xf32> to vector<16xf32>
    tpu.vector_store %arg5[%swap3A_84], %swap3A_87 {strides = array<i32>} : memref<128xf32, #tpu.memory_space<vmem>>, vector<16xf32>,
    %mul3A_88 = arith.constant 512 : i32
    %mul3A_89 = arith.muli %select_n3A_30, %mul3A_88 : i32
    %mul3A_90 = arith.constant 128 : i32
    %mul3A_91 = arith.muli %select_n3A, %mul3A_90 : i32
    %add3A_92 = arith.addi %mul3A_89, %mul3A_91 : i32
    "tpu.region"() ({
      %run_scoped3A = tpu.sem_alloc : memref<!tpu.dma_semaphore, #tpu.memory_space<semaphore_mem>>
      %dma_start3A = tpu.memref_slice %arg3[%add3A_92] : memref<2048xf32, #tpu.memory_space<hbm>> -> memref<128xf32, #tpu.memory_space<hbm>>
      %dma_start3A_93 = tpu.memref_slice %arg3[%add3A_92] : memref<2048xf32, #tpu.memory_space<hbm>> -> memref<128xf32, #tpu.memory_space<hbm>>
      tpu.enqueue_dma source(%arg5 : memref<128xf32, #tpu.memory_space<vmem>>) target(%dma_start3A_93 : memref<128xf32, #tpu.memory_space<hbm>>) target_semaphore(%run_scoped3A : memref<!tpu.dma_semaphore, #tpu.memory_space<semaphore_mem>>)
      %dma_wait3A = tpu.memref_slice %arg3[%add3A_92] : memref<2048xf32, #tpu.memory_space<hbm>> -> memref<128xf32, #tpu.memory_space<hbm>>
      %dma_wait3A_94 = tpu.memref_slice %arg3[%add3A_92] : memref<2048xf32, #tpu.memory_space<hbm>> -> memref<128xf32, #tpu.memory_space<hbm>>
      tpu.wait_dma2 semaphore(%run_scoped3A : memref<!tpu.dma_semaphore, #tpu.memory_space<semaphore_mem>>) src(%arg5 : memref<128xf32, #tpu.memory_space<vmem>>) dst(%dma_wait3A_94 : memref<128xf32, #tpu.memory_space<hbm>>)
      tpu.yield
    }) : () -> ()
    return
  }
}

module attributes {stable_mosaic.version = 14 : i64} {
  func.func @_tc_dense_body(%arg0: i32, %arg1: memref<512x128xf32, #tpu.memory_space<vmem>>, %arg2: memref<128x128xf32, #tpu.memory_space<vmem>>, %arg3: memref<1x128xf32, #tpu.memory_space<vmem>>, %arg4: memref<128x128xf32, #tpu.memory_space<vmem>>, %arg5: memref<448x512xf32, #tpu.memory_space<vmem>>, %arg6: memref<512x128xf32, #tpu.memory_space<vmem>>, %arg7: memref<1x128xf32, #tpu.memory_space<vmem>>, %arg8: memref<1x512xf32, #tpu.memory_space<vmem>>) attributes {dimension_semantics = [#tpu.dimension_semantics<arbitrary>], iteration_bounds = array<i64: 1>, scalar_prefetch = 0 : i64, scratch_operands = 0 : i64, tpu.core_type = #tpu.core_type<tc>, window_params = [{pipeline_mode = #tpu.pipeline_mode<synchronous>, transform_indices = @transform_0, window_bounds = array<i64: 512, 128>}, {pipeline_mode = #tpu.pipeline_mode<synchronous>, transform_indices = @transform_1, window_bounds = array<i64: 128, 128>}, {pipeline_mode = #tpu.pipeline_mode<synchronous>, transform_indices = @transform_2, window_bounds = array<i64: 1, 128>}, {pipeline_mode = #tpu.pipeline_mode<synchronous>, transform_indices = @transform_3, window_bounds = array<i64: 128, 128>}, {transform_indices = @transform_4, window_bounds = array<i64: 448, 512>}, {pipeline_mode = #tpu.pipeline_mode<synchronous>, transform_indices = @transform_5, window_bounds = array<i64: 512, 128>}, {pipeline_mode = #tpu.pipeline_mode<synchronous>, transform_indices = @transform_6, window_bounds = array<i64: 1, 128>}, {pipeline_mode = #tpu.pipeline_mode<synchronous>, transform_indices = @transform_7, window_bounds = array<i64: 1, 512>}]} {
    %get3A = arith.constant 0 : index
    %get3A_0 = arith.constant 0 : index
    %get3A_1 = vector.load %arg1[%get3A, %get3A_0] : memref<512x128xf32, #tpu.memory_space<vmem>>, vector<512x128xf32>
    %get3A_2 = arith.constant 0 : index
    %get3A_3 = arith.constant 0 : index
    %get3A_4 = vector.load %arg2[%get3A_2, %get3A_3] : memref<128x128xf32, #tpu.memory_space<vmem>>, vector<128x128xf32>
    %dot_general3A = arith.constant dense<0.000000e+00> : vector<512x128xf32>
    %dot_general3A_5 = tpu.matmul %get3A_1, %get3A_4, %dot_general3A {dimension_numbers = #tpu.dot_dimension_numbers<[1], [0], [0], [1], [0, 0, 1, 1], [], []>, transpose_lhs_hint = false} : vector<512x128xf32>, vector<128x128xf32>, vector<512x128xf32> -> vector<512x128xf32>
    %get3A_6 = arith.constant 0 : index
    %get3A_7 = arith.constant 0 : index
    %get3A_8 = vector.load %arg3[%get3A_6, %get3A_7] : memref<1x128xf32, #tpu.memory_space<vmem>>, vector<1x128xf32>
    %add3A = vector.broadcast %get3A_8 : vector<1x128xf32> to vector<512x128xf32>
    %add3A_9 = arith.addf %dot_general3A_5, %add3A : vector<512x128xf32>
    %max3A = arith.constant 0.000000e+00 : f32
    %max3A_10 = vector.broadcast %max3A : f32 to vector<512x128xf32>
    %max3A_11 = arith.maximumf %add3A_9, %max3A_10 : vector<512x128xf32>
    %abs3A = math.absf %add3A_9 : vector<512x128xf32>
    %neg3A = arith.constant 0.000000e+00 : f32
    %neg3A_12 = vector.broadcast %neg3A : f32 to vector<512x128xf32>
    %neg3A_13 = arith.subf %neg3A_12, %abs3A : vector<512x128xf32>
    %exp3A = math.exp %neg3A_13 : vector<512x128xf32>
    %log1p3A = math.log1p %exp3A : vector<512x128xf32>
    %add3A_14 = arith.addf %max3A_11, %log1p3A : vector<512x128xf32>
    %get3A_15 = arith.constant 0 : index
    %get3A_16 = arith.constant 0 : index
    %get3A_17 = vector.load %arg4[%get3A_15, %get3A_16] : memref<128x128xf32, #tpu.memory_space<vmem>>, vector<128x128xf32>
    %dot_general3A_18 = arith.constant dense<0.000000e+00> : vector<512x128xf32>
    %dot_general3A_19 = tpu.matmul %add3A_14, %get3A_17, %dot_general3A_18 {dimension_numbers = #tpu.dot_dimension_numbers<[1], [0], [0], [1], [0, 0, 1, 1], [], []>, transpose_lhs_hint = false} : vector<512x128xf32>, vector<128x128xf32>, vector<512x128xf32> -> vector<512x128xf32>
    %swap3A = arith.constant 0 : index
    %swap3A_20 = arith.constant 0 : index
    %swap3A_21 = vector.load %arg6[%swap3A, %swap3A_20] : memref<512x128xf32, #tpu.memory_space<vmem>>, vector<512x128xf32>
    tpu.vector_store %arg6[%swap3A, %swap3A_20], %dot_general3A_19 {strides = array<i32>} : memref<512x128xf32, #tpu.memory_space<vmem>>, vector<512x128xf32>,
    %reduce_sum3A = arith.constant dense<0.000000e+00> : vector<128xf32>
    %reduce_sum3A_22 = vector.multi_reduction <add>, %add3A_14, %reduce_sum3A [0] : vector<512x128xf32> to vector<128xf32>
    %broadcast_in_dim3A = vector.shape_cast %reduce_sum3A_22 : vector<128xf32> to vector<1x128xf32>
    %swap3A_23 = arith.constant 0 : index
    %swap3A_24 = arith.constant 0 : index
    %swap3A_25 = vector.load %arg7[%swap3A_23, %swap3A_24] : memref<1x128xf32, #tpu.memory_space<vmem>>, vector<1x128xf32>
    tpu.vector_store %arg7[%swap3A_23, %swap3A_24], %broadcast_in_dim3A {strides = array<i32>} : memref<1x128xf32, #tpu.memory_space<vmem>>, vector<1x128xf32>,
    %get3A_26 = arith.constant 0 : index
    %get3A_27 = arith.constant 0 : index
    %get3A_28 = vector.load %arg5[%get3A_26, %get3A_27] : memref<448x512xf32, #tpu.memory_space<vmem>>, vector<448x512xf32>
    %div3A = arith.constant 1.000000e+00 : f32
    %div3A_29 = vector.broadcast %div3A : f32 to vector<448x512xf32>
    %div3A_30 = arith.divf %div3A_29, %get3A_28 : vector<448x512xf32>
    %sub3A = arith.constant 1.000000e+00 : f32
    %sub3A_31 = vector.broadcast %sub3A : f32 to vector<448x512xf32>
    %sub3A_32 = arith.subf %div3A_30, %sub3A_31 : vector<448x512xf32>
    %mul3A = arith.mulf %sub3A_32, %sub3A_32 : vector<448x512xf32>
    %mul3A_33 = arith.constant -2.000000e+00 : f32
    %mul3A_34 = vector.broadcast %mul3A_33 : f32 to vector<448x512xf32>
    %mul3A_35 = arith.mulf %mul3A, %mul3A_34 : vector<448x512xf32>
    %exp3A_36 = math.exp %mul3A_35 : vector<448x512xf32>
    %lt3A = arith.constant 3.000000e-01 : f32
    %lt3A_37 = vector.broadcast %lt3A : f32 to vector<448x512xf32>
    %lt3A_38 = arith.cmpf olt, %get3A_28, %lt3A_37 : vector<448x512xf32>
    %jit3A = arith.constant 0.000000e+00 : f32
    %broadcast_in_dim3A_39 = vector.broadcast %jit3A : f32 to vector<448x512xf32>
    %select_n3A = arith.select %lt3A_38, %exp3A_36, %broadcast_in_dim3A_39 : vector<448x512xi1>, vector<448x512xf32>
    %reduce_sum3A_40 = arith.constant dense<0.000000e+00> : vector<512xf32>
    %reduce_sum3A_41 = vector.multi_reduction <add>, %select_n3A, %reduce_sum3A_40 [0] : vector<448x512xf32> to vector<512xf32>
    %broadcast_in_dim3A_42 = vector.shape_cast %reduce_sum3A_41 : vector<512xf32> to vector<1x512xf32>
    %swap3A_43 = arith.constant 0 : index
    %swap3A_44 = arith.constant 0 : index
    %swap3A_45 = vector.load %arg8[%swap3A_43, %swap3A_44] : memref<1x512xf32, #tpu.memory_space<vmem>>, vector<1x512xf32>
    tpu.vector_store %arg8[%swap3A_43, %swap3A_44], %broadcast_in_dim3A_42 {strides = array<i32>} : memref<1x512xf32, #tpu.memory_space<vmem>>, vector<1x512xf32>,
    return
  }
  func.func @transform_0(%arg0: i32) -> (i32, i32) {
    %c0_i32 = arith.constant 0 : i32
    %c0_i32_0 = arith.constant 0 : i32
    %c0_i32_1 = arith.constant 0 : i32
    return %c0_i32, %c0_i32_0 : i32, i32
  }
  func.func @transform_1(%arg0: i32) -> (i32, i32) {
    %c0_i32 = arith.constant 0 : i32
    %c0_i32_0 = arith.constant 0 : i32
    %c0_i32_1 = arith.constant 0 : i32
    return %c0_i32, %c0_i32_0 : i32, i32
  }
  func.func @transform_2(%arg0: i32) -> (i32, i32) {
    %c0_i32 = arith.constant 0 : i32
    %c0_i32_0 = arith.constant 0 : i32
    %c0_i32_1 = arith.constant 0 : i32
    return %c0_i32, %c0_i32_0 : i32, i32
  }
  func.func @transform_3(%arg0: i32) -> (i32, i32) {
    %c0_i32 = arith.constant 0 : i32
    %c0_i32_0 = arith.constant 0 : i32
    %c0_i32_1 = arith.constant 0 : i32
    return %c0_i32, %c0_i32_0 : i32, i32
  }
  func.func @transform_4(%arg0: i32) -> (i32, i32) {
    %c0_i32 = arith.constant 0 : i32
    %c0_i32_0 = arith.constant 0 : i32
    %c0_i32_1 = arith.constant 0 : i32
    return %c0_i32, %c0_i32_0 : i32, i32
  }
  func.func @transform_5(%arg0: i32) -> (i32, i32) {
    %c0_i32 = arith.constant 0 : i32
    %c0_i32_0 = arith.constant 0 : i32
    %c0_i32_1 = arith.constant 0 : i32
    return %c0_i32, %c0_i32_0 : i32, i32
  }
  func.func @transform_6(%arg0: i32) -> (i32, i32) {
    %c0_i32 = arith.constant 0 : i32
    %c0_i32_0 = arith.constant 0 : i32
    %c0_i32_1 = arith.constant 0 : i32
    return %c0_i32, %c0_i32_0 : i32, i32
  }
  func.func @transform_7(%arg0: i32) -> (i32, i32) {
    %c0_i32 = arith.constant 0 : i32
    %c0_i32_0 = arith.constant 0 : i32
    %c0_i32_1 = arith.constant 0 : i32
    return %c0_i32, %c0_i32_0 : i32, i32
  }
}

module attributes {stable_mosaic.version = 14 : i64} {
  func.func @_tc_combine_body(%arg0: memref<512x128xf32, #tpu.memory_space<vmem>>, %arg1: memref<1x128xf32, #tpu.memory_space<vmem>>, %arg2: memref<1x128xf32, #tpu.memory_space<vmem>>, %arg3: memref<16x128xf32, #tpu.memory_space<vmem>>, %arg4: memref<1x512xf32, #tpu.memory_space<vmem>>, %arg5: memref<1x128xf32, #tpu.memory_space<vmem>>, %arg6: memref<1x1xf32, #tpu.memory_space<vmem>>) attributes {dimension_semantics = [], scalar_prefetch = 0 : i64, scratch_operands = 0 : i64, tpu.core_type = #tpu.core_type<tc>} {
    %get3A = arith.constant 0 : index
    %get3A_0 = arith.constant 0 : index
    %get3A_1 = vector.load %arg3[%get3A, %get3A_0] : memref<16x128xf32, #tpu.memory_space<vmem>>, vector<16x128xf32>
    %reshape3A = vector.shape_cast %get3A_1 : vector<16x128xf32> to vector<4x4x128xf32>
    %reduce_sum3A = arith.constant dense<0.000000e+00> : vector<4x128xf32>
    %reduce_sum3A_2 = vector.multi_reduction <add>, %reshape3A, %reduce_sum3A [0] : vector<4x4x128xf32> to vector<4x128xf32>
    %broadcast_in_dim3A = arith.constant 0.000000e+00 : f32
    %broadcast_in_dim3A_3 = vector.broadcast %broadcast_in_dim3A : f32 to vector<1x128xf32>
    %slice3A = vector.extract_strided_slice %reduce_sum3A_2 {offsets = [0, 0], sizes = [1, 128], strides = [1, 1]} : vector<4x128xf32> to vector<1x128xf32>
    %get3A_4 = arith.constant 0 : index
    %get3A_5 = arith.constant 0 : index
    %get3A_6 = vector.load %arg4[%get3A_4, %get3A_5] : memref<1x512xf32, #tpu.memory_space<vmem>>, vector<1x128xf32>
    %add3A = arith.addf %slice3A, %get3A_6 : vector<1x128xf32>
    %reduce_sum3A_7 = vector.shape_cast %add3A : vector<1x128xf32> to vector<1x1x128xf32>
    %reduce_sum3A_8 = arith.constant dense<0.000000e+00> : vector<1xf32>
    %reduce_sum3A_9 = vector.multi_reduction <add>, %reduce_sum3A_7, %reduce_sum3A_8 [1, 2] : vector<1x1x128xf32> to vector<1xf32>
    %reduce_sum3A_10 = vector.shape_cast %reduce_sum3A_9 : vector<1xf32> to vector<1x1x1xf32>
    %reduce_sum3A_11 = vector.extract %reduce_sum3A_10[0, 0, 0] : f32 from vector<1x1x1xf32>
    %add3A_12 = arith.constant 0.000000e+00 : f32
    %add3A_13 = arith.addf %add3A_12, %reduce_sum3A_11 : f32
    %get3A_14 = arith.constant 0 : index
    %get3A_15 = arith.constant 0 : index
    %get3A_16 = vector.load %arg0[%get3A_14, %get3A_15] : memref<512x128xf32, #tpu.memory_space<vmem>>, vector<128x128xf32>
    %dot_general3A = arith.constant dense<0.000000e+00> : vector<1x128xf32>
    %dot_general3A_17 = tpu.matmul %add3A, %get3A_16, %dot_general3A {dimension_numbers = #tpu.dot_dimension_numbers<[1], [0], [0], [1], [0, 0, 1, 1], [], []>, transpose_lhs_hint = false} : vector<1x128xf32>, vector<128x128xf32>, vector<1x128xf32> -> vector<1x128xf32>
    %add3A_18 = arith.addf %broadcast_in_dim3A_3, %dot_general3A_17 : vector<1x128xf32>
    %slice3A_19 = vector.extract_strided_slice %reduce_sum3A_2 {offsets = [1, 0], sizes = [1, 128], strides = [1, 1]} : vector<4x128xf32> to vector<1x128xf32>
    %get3A_20 = arith.constant 0 : index
    %get3A_21 = arith.constant 128 : index
    %get3A_22 = vector.load %arg4[%get3A_20, %get3A_21] : memref<1x512xf32, #tpu.memory_space<vmem>>, vector<1x128xf32>
    %add3A_23 = arith.addf %slice3A_19, %get3A_22 : vector<1x128xf32>
    %reduce_sum3A_24 = vector.shape_cast %add3A_23 : vector<1x128xf32> to vector<1x1x128xf32>
    %reduce_sum3A_25 = arith.constant dense<0.000000e+00> : vector<1xf32>
    %reduce_sum3A_26 = vector.multi_reduction <add>, %reduce_sum3A_24, %reduce_sum3A_25 [1, 2] : vector<1x1x128xf32> to vector<1xf32>
    %reduce_sum3A_27 = vector.shape_cast %reduce_sum3A_26 : vector<1xf32> to vector<1x1x1xf32>
    %reduce_sum3A_28 = vector.extract %reduce_sum3A_27[0, 0, 0] : f32 from vector<1x1x1xf32>
    %add3A_29 = arith.addf %add3A_13, %reduce_sum3A_28 : f32
    %get3A_30 = arith.constant 128 : index
    %get3A_31 = arith.constant 0 : index
    %get3A_32 = vector.load %arg0[%get3A_30, %get3A_31] : memref<512x128xf32, #tpu.memory_space<vmem>>, vector<128x128xf32>
    %dot_general3A_33 = arith.constant dense<0.000000e+00> : vector<1x128xf32>
    %dot_general3A_34 = tpu.matmul %add3A_23, %get3A_32, %dot_general3A_33 {dimension_numbers = #tpu.dot_dimension_numbers<[1], [0], [0], [1], [0, 0, 1, 1], [], []>, transpose_lhs_hint = false} : vector<1x128xf32>, vector<128x128xf32>, vector<1x128xf32> -> vector<1x128xf32>
    %add3A_35 = arith.addf %add3A_18, %dot_general3A_34 : vector<1x128xf32>
    %slice3A_36 = vector.extract_strided_slice %reduce_sum3A_2 {offsets = [2, 0], sizes = [1, 128], strides = [1, 1]} : vector<4x128xf32> to vector<1x128xf32>
    %get3A_37 = arith.constant 0 : index
    %get3A_38 = arith.constant 256 : index
    %get3A_39 = vector.load %arg4[%get3A_37, %get3A_38] : memref<1x512xf32, #tpu.memory_space<vmem>>, vector<1x128xf32>
    %add3A_40 = arith.addf %slice3A_36, %get3A_39 : vector<1x128xf32>
    %reduce_sum3A_41 = vector.shape_cast %add3A_40 : vector<1x128xf32> to vector<1x1x128xf32>
    %reduce_sum3A_42 = arith.constant dense<0.000000e+00> : vector<1xf32>
    %reduce_sum3A_43 = vector.multi_reduction <add>, %reduce_sum3A_41, %reduce_sum3A_42 [1, 2] : vector<1x1x128xf32> to vector<1xf32>
    %reduce_sum3A_44 = vector.shape_cast %reduce_sum3A_43 : vector<1xf32> to vector<1x1x1xf32>
    %reduce_sum3A_45 = vector.extract %reduce_sum3A_44[0, 0, 0] : f32 from vector<1x1x1xf32>
    %add3A_46 = arith.addf %add3A_29, %reduce_sum3A_45 : f32
    %get3A_47 = arith.constant 256 : index
    %get3A_48 = arith.constant 0 : index
    %get3A_49 = vector.load %arg0[%get3A_47, %get3A_48] : memref<512x128xf32, #tpu.memory_space<vmem>>, vector<128x128xf32>
    %dot_general3A_50 = arith.constant dense<0.000000e+00> : vector<1x128xf32>
    %dot_general3A_51 = tpu.matmul %add3A_40, %get3A_49, %dot_general3A_50 {dimension_numbers = #tpu.dot_dimension_numbers<[1], [0], [0], [1], [0, 0, 1, 1], [], []>, transpose_lhs_hint = false} : vector<1x128xf32>, vector<128x128xf32>, vector<1x128xf32> -> vector<1x128xf32>
    %add3A_52 = arith.addf %add3A_35, %dot_general3A_51 : vector<1x128xf32>
    %slice3A_53 = vector.extract_strided_slice %reduce_sum3A_2 {offsets = [3, 0], sizes = [1, 128], strides = [1, 1]} : vector<4x128xf32> to vector<1x128xf32>
    %get3A_54 = arith.constant 0 : index
    %get3A_55 = arith.constant 384 : index
    %get3A_56 = vector.load %arg4[%get3A_54, %get3A_55] : memref<1x512xf32, #tpu.memory_space<vmem>>, vector<1x128xf32>
    %add3A_57 = arith.addf %slice3A_53, %get3A_56 : vector<1x128xf32>
    %reduce_sum3A_58 = vector.shape_cast %add3A_57 : vector<1x128xf32> to vector<1x1x128xf32>
    %reduce_sum3A_59 = arith.constant dense<0.000000e+00> : vector<1xf32>
    %reduce_sum3A_60 = vector.multi_reduction <add>, %reduce_sum3A_58, %reduce_sum3A_59 [1, 2] : vector<1x1x128xf32> to vector<1xf32>
    %reduce_sum3A_61 = vector.shape_cast %reduce_sum3A_60 : vector<1xf32> to vector<1x1x1xf32>
    %reduce_sum3A_62 = vector.extract %reduce_sum3A_61[0, 0, 0] : f32 from vector<1x1x1xf32>
    %add3A_63 = arith.addf %add3A_46, %reduce_sum3A_62 : f32
    %get3A_64 = arith.constant 384 : index
    %get3A_65 = arith.constant 0 : index
    %get3A_66 = vector.load %arg0[%get3A_64, %get3A_65] : memref<512x128xf32, #tpu.memory_space<vmem>>, vector<128x128xf32>
    %dot_general3A_67 = arith.constant dense<0.000000e+00> : vector<1x128xf32>
    %dot_general3A_68 = tpu.matmul %add3A_57, %get3A_66, %dot_general3A_67 {dimension_numbers = #tpu.dot_dimension_numbers<[1], [0], [0], [1], [0, 0, 1, 1], [], []>, transpose_lhs_hint = false} : vector<1x128xf32>, vector<128x128xf32>, vector<1x128xf32> -> vector<1x128xf32>
    %add3A_69 = arith.addf %add3A_52, %dot_general3A_68 : vector<1x128xf32>
    %get3A_70 = arith.constant 0 : index
    %get3A_71 = arith.constant 0 : index
    %get3A_72 = vector.load %arg1[%get3A_70, %get3A_71] : memref<1x128xf32, #tpu.memory_space<vmem>>, vector<1x128xf32>
    %add3A_73 = arith.addf %get3A_72, %add3A_69 : vector<1x128xf32>
    %get3A_74 = arith.constant 0 : index
    %get3A_75 = arith.constant 0 : index
    %get3A_76 = vector.load %arg2[%get3A_74, %get3A_75] : memref<1x128xf32, #tpu.memory_space<vmem>>, vector<1x128xf32>
    %mul3A = vector.broadcast %add3A_63 : f32 to vector<1x128xf32>
    %mul3A_77 = arith.mulf %mul3A, %get3A_76 : vector<1x128xf32>
    %add3A_78 = arith.addf %add3A_73, %mul3A_77 : vector<1x128xf32>
    %add3A_79 = arith.constant 2.000000e+00 : f32
    %add3A_80 = vector.broadcast %add3A_79 : f32 to vector<1x128xf32>
    %add3A_81 = arith.addf %add3A_80, %add3A_78 : vector<1x128xf32>
    %swap3A = arith.constant 0 : index
    %swap3A_82 = arith.constant 0 : index
    %swap3A_83 = vector.load %arg5[%swap3A, %swap3A_82] : memref<1x128xf32, #tpu.memory_space<vmem>>, vector<1x128xf32>
    tpu.vector_store %arg5[%swap3A, %swap3A_82], %add3A_81 {strides = array<i32>} : memref<1x128xf32, #tpu.memory_space<vmem>>, vector<1x128xf32>,
    %mul3A_84 = arith.mulf %add3A_78, %add3A_78 : vector<1x128xf32>
    %reduce_sum3A_85 = vector.shape_cast %mul3A_84 : vector<1x128xf32> to vector<1x1x128xf32>
    %reduce_sum3A_86 = arith.constant dense<0.000000e+00> : vector<1xf32>
    %reduce_sum3A_87 = vector.multi_reduction <add>, %reduce_sum3A_85, %reduce_sum3A_86 [1, 2] : vector<1x1x128xf32> to vector<1xf32>
    %reduce_sum3A_88 = vector.shape_cast %reduce_sum3A_87 : vector<1xf32> to vector<1x1x1xf32>
    %reduce_sum3A_89 = vector.extract %reduce_sum3A_88[0, 0, 0] : f32 from vector<1x1x1xf32>
    %broadcast_in_dim3A_90 = vector.broadcast %reduce_sum3A_89 : f32 to vector<1x1xf32>
    %sqrt3A = math.sqrt %broadcast_in_dim3A_90 : vector<1x1xf32>
    %mul3A_91 = arith.constant 0.00999999977 : f32
    %mul3A_92 = vector.broadcast %mul3A_91 : f32 to vector<1x1xf32>
    %mul3A_93 = arith.mulf %mul3A_92, %sqrt3A : vector<1x1xf32>
    %swap3A_94 = arith.constant 0 : index
    %swap3A_95 = arith.constant 0 : index
    %swap3A_96 = vector.load %arg6[%swap3A_94, %swap3A_95] : memref<1x1xf32, #tpu.memory_space<vmem>>, vector<1x1xf32>
    tpu.vector_store %arg6[%swap3A_94, %swap3A_95], %mul3A_93 {strides = array<i32>} : memref<1x1xf32, #tpu.memory_space<vmem>>, vector<1x1xf32>,
    return
  }
}

</mosaic_0001>

<sc_bundles>
// kernel: kernel.5.cloned.1.call-start
scs
__scs_entry_jumppad:
0x0: {  	(pc) =	sbr.rel $0x88, $3  }
0x1: {  	(tag) =	ssettag $0x0;
	lr =	simm.s32 $0x1  }
0x2: {  	[smem:$0x3F9B] =	sst lr;
	_ =	strace $0xD0000000  }
0x3: {  	_ = 	snop  }
0x4: {  	_ = 	snop  }
0x5: {  	_ = 	snop  }
0x6: {  	_ = 	snop  }
0x7: {  	_ = 	snop  }
__scs_overlays_trampoline_lowered:
0x8: {  	[smem:$0x3FAA] =	sst s0  }
0x9: {  	[smem:$0x3FAB] =	sst s1  }
0xa: {  	[smem:$0x3FAC] =	sst s2  }
0xb: {  	[smem:$0x3FAD] =	sst s3  }
0xc: {  	[smem:$0x3FAE] =	sst s4  }
0xd: {  	[smem:$0x3FAF] =	sst s5  }
0xe: {  	[smem:$0x3FB0] =	sst s6  }
0xf: {  	[smem:$0x3FB1] =	sst s7  }
0x10: {  	[smem:$0x3FB2] =	sst s8  }
0x11: {  	[smem:$0x3FB3] =	sst s9;
	s0 =	simm.s32 @!p0 $0x0  }
0x12: {  	s1 =	sld [smem:$0x3F99];
	s0 =	simm.s32 @p0 $0x1  }
0x13: {  	[smem:$0x3FB4] =	sst s0;
	s0 =	simm.s32 @!p1 $0x0  }
0x14: {  	s2 =	sld [smem:$0x3F98];
	s0 =	simm.s32 @p1 $0x1  }
0x15: {  	[smem:$0x3FB5] =	sst s0;
	s0 =	simm.s32 @!p2 $0x0  }
0x16: {  	s3 =	sld [smem:$0x3FDB];
	s0 =	simm.s32 @p2 $0x1  }
0x17: {  	s4 =	simm.s32 $0x1BF5;
	[smem:$0x3FB7] =	sst s0  }
0x18: {  	s0 =	sld [smem:$0x3F9A];
	_ =	swait.ge [sflag:s4], $0x0  }
0x19: {  	s7 =	sld [smem:$0x3F9B]  }
0x1a: {  	s8 =	sadd.s32 $0xFFFFE003, lr  }
0x1b: {  	s9 =	sadd.s32 $0xFFFFFEF7, lr;
	s5 =	simm.s32 $0xFFFFFFFF;
	p2 =	slt.u32 s8, $0xFFFFF086  }
0x1c: {  	p1 =	slt.u32 s9, $0xF7A;
	s5 =	simm.s32 @!p2 $0x0  }
0x1d: {  	s5 =	simm.s32 @p1 $0x1;
	p0 =	seq.s32 s7, s2  }
0x1e: {  	s7 =	smul.u32 @!p0 $0xF7A, s2;
	p2 =	seq.s32 @!p0 s5, $0x0  }
0x1f: {  	s9 =	smul.u32 $0xF7A, s1;
	s8 =	simm.s32 @!p0 $0x1BF5;
	p2 =	por !p2, p0  }
0x20: {  	[sflag:s8] =	ssyncset.s32 @!p0 $0xFFFFF086;
	s6 =	sadd.s32 @!p0 s3, s7;
	s7 =	simm.s32 @!p0 $0x108  }
0x21: {  	s3 =	sadd.s32 s3, s9;
	s6 =	sadd.s32 @!p0 $0x88, s6;
	s7 =	simm.s32 @p2 $0x1082  }
0x22: {  	[simem:s7], [sflag:s8] =	dma.local @!p0 [hbm:s6], $0xF7A  }
0x23: {  	s9 =	sor.u32 $0xD0000000, s2;
	s6 =	simm.s32 $0x108;
	_ =	swait.ge @!p0 [sflag:s8], $0x0  }
0x24: {  	s3 =	sadd.s32 $0x88, s3;
	s6 =	simm.s32 @!p1 $0x1082;
	[sflag:s4] =	ssyncset.s32 $0xFFFFF086  }
0x25: {  	[simem:s6], [sflag:s4] =	dma.local [hbm:s3], $0xF7A  }
0x26: {  	[smem:$0x3F9B] =	sst s1;
	(tag) =	ssettag s2;
	_ =	strace s9  }
0x27: {  	s1 =	sld [smem:$0x3FAB]  }
0x28: {  	s2 =	sld [smem:$0x3FAC]  }
0x29: {  	s4 =	sld [smem:$0x3FAE]  }
0x2a: {  	p0 =	seq.s32 s5, $0x0;
	s5 =	sld [smem:$0x3FAF]  }
0x2b: {  	s6 =	sld [smem:$0x3FB0]  }
0x2c: {  	s7 =	sld [smem:$0x3FB1]  }
0x2d: {  	s3 =	simm.s32 $0x108;
	s8 =	sld [smem:$0x3FB2]  }
0x2e: {  	s3 =	simm.s32 @!p0 $0x1082;
	s9 =	sld [smem:$0x3FB3]  }
0x2f: {  	lr =	sadd.s32 s0, s3;
	s0 =	sld [smem:$0x3FAA]  }
0x30: {  	s3 =	sld [smem:$0x3FAD]  }
0x31: {  	[smem:$0x3FB6] =	sst s10  }
0x32: {  	s10 =	sld [smem:$0x3FB4];
	_ =	sdelay $0x3  }
0x33: {  	p0 =	seq.s32 s10, $0x1;
	s10 =	sld [smem:$0x3FB6];
	_ =	sdelay $0x3  }
0x34: {  	[smem:$0x3FB6] =	sst s10  }
0x35: {  	s10 =	sld [smem:$0x3FB5];
	_ =	sdelay $0x3  }
0x36: {  	p1 =	seq.s32 s10, $0x1;
	s10 =	sld [smem:$0x3FB6];
	_ =	sdelay $0x3  }
0x37: {  	[smem:$0x3FB6] =	sst s10  }
0x38: {  	s10 =	sld [smem:$0x3FB7]  }
0x39: {  	_ = 	snop;
	(pc) =	sbr.ind lr, $3  }
0x3a: {  	_ = 	snop  }
0x3b: {  	_ = 	snop  }
0x3c: {  	p2 =	seq.s32 s10, $0x1;
	s10 =	sld [smem:$0x3FB6]  }
0x3d: {  	_ =	shalt  }
0x3e: {  	_ =	shalt  }
0x3f: {  	_ =	shalt  }
0x40: {  	_ =	shalt  }
0x41: {  	_ =	shalt  }
0x42: {  	_ =	shalt  }
0x43: {  	_ =	shalt  }
0x44: {  	_ =	shalt  }
0x45: {  	_ =	shalt  }
0x46: {  	_ =	shalt  }
0x47: {  	_ =	shalt  }
0x48: {  	_ =	shalt  }
0x49: {  	_ =	shalt  }
0x4a: {  	_ =	shalt  }
0x4b: {  	_ =	shalt  }
0x4c: {  	_ =	shalt  }
0x4d: {  	_ =	shalt  }
0x4e: {  	_ =	shalt  }
0x4f: {  	_ =	shalt  }
0x50: {  	_ =	shalt  }
0x51: {  	_ =	shalt  }
0x52: {  	_ =	shalt  }
0x53: {  	_ =	shalt  }
0x54: {  	_ =	shalt  }
0x55: {  	_ =	shalt  }
0x56: {  	_ =	shalt  }
0x57: {  	_ =	shalt  }
0x58: {  	_ =	shalt  }
0x59: {  	_ =	shalt  }
0x5a: {  	_ =	shalt  }
0x5b: {  	_ =	shalt  }
0x5c: {  	_ =	shalt  }
0x5d: {  	_ =	shalt  }
0x5e: {  	_ =	shalt  }
0x5f: {  	_ =	shalt  }
0x60: {  	_ =	shalt  }
0x61: {  	_ =	shalt  }
0x62: {  	_ =	shalt  }
0x63: {  	_ =	shalt  }
0x64: {  	_ =	shalt  }
0x65: {  	_ =	shalt  }
0x66: {  	_ =	shalt  }
0x67: {  	_ =	shalt  }
0x68: {  	_ =	shalt  }
0x69: {  	_ =	shalt  }
0x6a: {  	_ =	shalt  }
0x6b: {  	_ =	shalt  }
0x6c: {  	_ =	shalt  }
0x6d: {  	_ =	shalt  }
0x6e: {  	_ =	shalt  }
0x6f: {  	_ =	shalt  }
0x70: {  	_ =	shalt  }
0x71: {  	_ =	shalt  }
0x72: {  	_ =	shalt  }
0x73: {  	_ =	shalt  }
0x74: {  	_ =	shalt  }
0x75: {  	_ =	shalt  }
0x76: {  	_ =	shalt  }
0x77: {  	_ =	shalt  }
0x78: {  	_ =	shalt  }
0x79: {  	_ =	shalt  }
0x7a: {  	_ =	shalt  }
0x7b: {  	_ =	shalt  }
0x7c: {  	_ =	shalt  }
0x7d: {  	_ =	shalt  }
0x7e: {  	_ =	shalt  }
0x7f: {  	_ =	shalt  }
0x80: {  	_ =	shalt  }
0x81: {  	_ =	shalt  }
0x82: {  	_ =	shalt  }
0x83: {  	_ =	shalt  }
0x84: {  	_ =	shalt  }
0x85: {  	_ =	shalt  }
0x86: {  	_ =	shalt  }
0x87: {  	_ =	shalt  }
.Lfunc_end0:
.L_simem_size_0:
called_computation_lowered:
.L_overlay_start_0:
0x88: {  	s0 =	sld [smem:$0x3FD9]  }
0x89: {  	s1 =	sld [smem:$0x3FFE];
	_ =	sdelay $0x3  }
0x8a: {  	s0 =	sadd.s32 s1, s0  }
0x8b: {  	[smem:$0x3FC2] =	sst s0  }
0x8c: {  	_ = 	snop  }
0x8d: {  	s0 =	sld [smem:$0x3FC8];
	(tm) =	ssettm $0x1  }
0x8e: {  	s16 =	sld [smem:$0x3FFB];
	_ =	sdelay $0x3  }
0x8f: {  	_ =	strace s16  }
0x90: {  	s1 =	sld [smem:$0x3FFC];
	_ =	sdelay $0x3  }
0x91: {  	_ =	strace s1  }
0x92: {  	s1 =	sld [smem:$0x3FFD];
	_ =	sdelay $0x3  }
0x93: {  	_ =	strace s1  }
0x94: {  	_ =	strace $0x8FFFFFFF  }
0x95: {  	s17 =	sld [smem:$0x3FDB];
	_ =	sdelay $0x1  }
0x96: {  	s2 =	simm.s32 $_scs_section_size  }
0x97: {  	s3 =	simm.s32 $_size__tile_overlayer_lowered;
	s4 =	simm.s32 $_tile_overlayer_lowered  }
0x98: {  	s20 =	simm.s32 $0x1BFF;
	s19 =	sshll.u32 s4, $0x1;
	s1 =	sadd.s32 s2, s17  }
0x99: {  	s5 =	simm.s32 $0x0;
	s18 =	sshll.u32 s3, $0x1;
	s3 =	sadd.s32 s19, s1  }
0x9a: {  	[timem:s5], [sflag:s20] =	dma.local [hbm:s3], s18  }
0x9b: {  	_ =	swait.ge [sflag:s20], s18  }
0x9c: {  	s2 =	ssub.s32 $0x0, s18;
	[sflag:s20] =	ssyncset.done $0x0  }
0x9d: {  	[sflag:s20] =	ssyncadd.s32 s2;
	_ =	sdelay $0x1  }
0x9e: {  	s21 =	simm.s32 $0x1B8B  }
0x9f: {  	_ =	swait.ge [sflag:s21], $0x1  }
0xa0: {  	[sflag:s21] =	ssyncset.done $0x0  }
0xa1: {  	s23 =	simm.s32 $0x1B8E;
	s22 =	sld [smem:$0x3FFE];
	[sflag:s21] =	ssyncadd.s32 $0xFFFFFFFF  }
0xa2: {  	s24 =	simm.s32 $execute0_lowered;
	[smem:$0x3FD2] =	sst s23  }
0xa3: {  	s3 =	sshll.u32 s24, $0x1;
	_ =	strace $0x80000046;
	[dreg:$0x1] =	wrdreg $0xFFFFFFFF  }
0xa4: {  	s25 =	simm.s32 $_size_execute0_lowered;
	s1 =	sadd.s32 s1, s3;
	[dreg:$0x0] =	wrdreg $0x0  }
0xa5: {  	s3 =	sshll.u32 s25, $0x1;
	[dreg:$0x2] =	wrdreg s1  }
0xa6: {  	[dreg:$0x3] =	wrdreg s3  }
0xa7: {  	[dreg:$0x4] =	wrdreg $0xC0  }
0xa8: {  	_ =	task [dreg:s5], $0x5FFFF  }
0xa9: {  	[dreg:$0x1] =	wrdreg $0xFFFFFFFF  }
0xaa: {  	[dreg:$0x0] =	wrdreg $0x60  }
0xab: {  	[dreg:$0x2] =	wrdreg s0  }
0xac: {  	[dreg:$0x3] =	wrdreg s22  }
0xad: {  	[dreg:$0x4] =	wrdreg $0x9  }
0xae: {  	_ =	task.clear_ibuf [dreg:s5], $0x5FFFF;
	_ =	strace $0x90000046  }
0xaf: {  	s26 =	simm.s32 $0x9;
	_ =	strace $0x80000048  }
0xb0: {  	_ =	swait.ge [sflag:s26], $0x1  }
0xb1: {  	[sflag:s26] =	ssyncadd.s32 $0xFFFFFFFF  }
0xb2: {  	_ =	strace $0x90000048  }
0xb3: {  	_ =	sfence  }
0xb4: {  	s28 =	sld [smem:$0x0];
	_ =	sdelay $0x1  }
0xb5: {  	s29 =	srdreg.scid  }
0xb6: {  	s30 =	sshll.u32 s29, $0xD;
	s31 =	sshrl.u32 s29, $0x2  }
0xb7: {  	s2 =	sand.u32 $0x4000, s30;
	s1 =	sand.u32 $0x1, s29;
	s0 =	sadd.s32 s31, s28  }
0xb8: {  	s1 =	sor.u32 s2, s1;
	s0 =	sshll.u32 s0, $0x11  }
0xb9: {  	s0 =	sor.u32 s0, s1  }
0xba: {  	s0 =	sadd.s32 $0x8F2B, s0  }
0xbb: {  	[sflag:s0] =	ssyncadd.remote.s32 $0x1  }
0xbc: {  	_ =	sfence.sel $0xFFFF  }
0xbd: {  	[dreg:$0x0] =	wrdreg $0xFFFFFFFF;
	(pc) =	sbr.abs _section_cstart, $3  }
0xbe: {  	[dreg:$0x1] =	wrdreg $0xFFFFFFFF  }
0xbf: {  	_ =	task.clear_ibuf [dreg:s5], $0x2FFFF;
	_ =	strace $0x9FFFFFFF  }
0xc0: {  	(tm) =	ssettm $0x7FFFFFFF  }
0xc1: {  	_ =	shalt  }
tec
execute0_lowered:
.L_overlay_start_1:
0x0: {  	(tag) =	ssettag $0x1  }
0x1: {  	s4 =	rddreg [dreg:$0x0];
	s1 =	stileid.u32  }
0x2: {  	s3 =	rddreg [dreg:$0x1];
	s2 =	sshrl.u32 s1, $0x2  }
0x3: {  	s0 =	rddreg [dreg:$0x2];
	s6 =	sshll.u32 s1, $0xA;
	s7 =	sshll.u32 s2, $0x7  }
0x4: {  	s5 =	simm.s32 $0x0;
	s26 =	simm.s32 $0x400;
	s6 =	sor.u32 s6, s7  }
0x5: {  	s28 =	simm.s32 $0x1000;
	[smem:$0x7FF] =	sst s5;
	s6 =	sor.u32 $0x7000, s6  }
0x6: {  	s29 =	simm.s32 $0x1;
	_ =	strace $0x80000047;
	s4 =	sadd.s32 s4, s6  }
0x7: {  	[tilespmem:s5], [sflag:$0x1] =	stream.strided.gather [hbm4b:s4+s26], $0x800, s28, s26, $0x38;
	[tilespmem:$0x880] =	vst v63  }
0x8: {  	_ =	swait.ge [sflag:s29], $0x800  }
0x9: {  	[sflag:s29] =	ssyncset.done $0x0  }
0xa: {  	s30 =	simm.s32 $0x0;
	[sflag:s29] =	ssyncadd.s32 $0xFFFFF800  }
0xb: {  	v8 =	vld [tilespmem:s30+$0x20]  }
0xc: {  	v7 =	vld [tilespmem:s30+$0x10]  }
0xd: {  	v9 =	vld [tilespmem:s30+$0x0]  }
0xe: {  	v12 =	vld [tilespmem:s30+$0x30]  }
0xf: {  	v10 =	vld [tilespmem:s30+$0x40]  }
0x10: {  	v11 =	vld [tilespmem:s30+$0x50];
	(erf) = vrcp.f32 v8  }
0x11: {  	(erf) = vrcp.f32 v7  }
0x12: {  	(erf) = vrcp.f32 v9  }
0x13: {  	(erf) = vrcp.f32 v12  }
0x14: {  	(erf) = vrcp.f32 v10  }
0x15: {  	(erf) = vrcp.f32 v11;
	_ =	sdelay $0x2  }
0x16: {  	v13 =	vld [tilespmem:s30+$0x60]  }
0x17: {  	v14 =	vld [tilespmem:s30+$0x70];
	v0 =	vpop (erf)  }
0x18: {  	v1 =	vpop (erf)  }
0x19: {  	v2 =	vpop (erf)  }
0x1a: {  	v1 =	vadd.f32 $-1.000000000e+00, v1;
	v3 =	vpop (erf)  }
0x1b: {  	(erf) = vrcp.f32 v13;
	v0 =	vadd.f32 $-1.000000000e+00, v0;
	v4 =	vpop (erf)  }
0x1c: {  	(erf) = vrcp.f32 v14;
	v2 =	vadd.f32 $-1.000000000e+00, v2;
	v1 =	vmul.f32 v1, v1;
	v5 =	vpop (erf)  }
0x1d: {  	v0 =	vmul.f32 v0, v0;
	v3 =	vadd.f32 $-1.000000000e+00, v3;
	v5 =	vadd.f32 $-1.000000000e+00, v5  }
0x1e: {  	v2 =	vmul.f32 v2, v2;
	v4 =	vadd.f32 $-1.000000000e+00, v4;
	v1 =	vmul.f32 $-2.000000000e+00, v1  }
0x1f: {  	v3 =	vmul.f32 v3, v3;
	v5 =	vmul.f32 v5, v5  }
0x20: {  	v2 =	vmul.f32 $-2.000000000e+00, v2;
	v4 =	vmul.f32 v4, v4  }
0x21: {  	s31 =	simm.s32 $0x80;
	v3 =	vmul.f32 $-2.000000000e+00, v3;
	v16 =	vmul.f32 $-2.000000000e+00, v5  }
0x22: {  	v15 =	vmul.f32 $1.442695020e+00, v1;
	v6 =	vmul.f32 $1.442695020e+00, v2;
	v2 =	vld [tilespmem:s31+$0x20]  }
0x23: {  	v1 =	vld [tilespmem:s31+$0x10];
	v17 =	vmul.f32 $-2.000000000e+00, v4;
	v18 =	vmul.f32 $1.442695020e+00, v3  }
0x24: {  	v5 =	vld [tilespmem:s31+$0x0];
	(erf) = vpow2.f32 v6;
	v6 =	vmul.f32 $1.442695020e+00, v16  }
0x25: {  	(erf) = vpow2.f32 v15;
	v15 =	vmul.f32 $-2.000000000e+00, v0;
	v0 =	vld [tilespmem:s31+$0x30];
	v16 =	vpop (erf)  }
0x26: {  	v3 =	vld [tilespmem:s31+$0x40];
	v17 =	vmul.f32 $1.442695020e+00, v17;
	(erf) = vpow2.f32 v6;
	v4 =	vpop (erf)  }
0x27: {  	v16 =	vadd.f32 $-1.000000000e+00, v16;
	(erf) = vrcp.f32 v2;
	v19 =	vadd.f32 $-1.000000000e+00, v4;
	v4 =	vld [tilespmem:s31+$0x50]  }
0x28: {  	vm0 =	vlt.f32 v10, $3.000000120e-01;
	v15 =	vmul.f32 $1.442695020e+00, v15;
	(erf) = vrcp.f32 v1  }
0x29: {  	vm1 =	vlt.f32 v7, $3.000000120e-01;
	v16 =	vmul.f32 v16, v16;
	(erf) = vrcp.f32 v5  }
0x2a: {  	vm3 =	vlt.f32 v11, $3.000000120e-01;
	v10 =	vmul.f32 v19, v19;
	(erf) = vrcp.f32 v0  }
0x2b: {  	vm2 =	vlt.f32 v9, $3.000000120e-01;
	v16 =	vmul.f32 $-2.000000000e+00, v16;
	(erf) = vrcp.f32 v3  }
0x2c: {  	vm4 =	vlt.f32 v8, $3.000000120e-01;
	v7 =	vld [tilespmem:s31+$0x60];
	v19 =	vmul.f32 $-2.000000000e+00, v10;
	(erf) = vrcp.f32 v4  }
0x2d: {  	v6 =	vimm.f32 $0.0e+00;
	v9 =	vpop (erf);
	v16 =	vmul.f32 $1.442695020e+00, v16;
	(erf) = vpow2.f32 v15  }
0x2e: {  	v11 =	vld [tilespmem:s31+$0x70];
	v9 =	vnsel vm2, $0x0, v9;
	v20 =	vpop (erf);
	v15 =	vmul.f32 $1.442695020e+00, v19;
	(erf) = vpow2.f32 v18  }
0x2f: {  	v10 =	vadd.f32 v9, v6;
	v9 =	vnsel vm1, $0x0, v20;
	(erf) = vpow2.f32 v17;
	v17 =	vpop (erf)  }
0x30: {  	vm2 =	vlt.f32 v12, $3.000000120e-01;
	vm1 =	vlt.f32 v13, $3.000000120e-01;
	v9 =	vadd.f32 v9, v6;
	v18 =	vpop (erf)  }
0x31: {  	(erf) = vrcp.f32 v7;
	v12 =	vnsel vm3, $0x0, v17;
	vm3 =	vlt.f32 v14, $3.000000120e-01;
	v17 =	vpop (erf)  }
0x32: {  	v8 =	vadd.f32 v12, v6;
	(erf) = vpow2.f32 v15;
	v12 =	vadd.f32 $-1.000000000e+00, v17;
	v15 =	vpop (erf)  }
0x33: {  	(erf) = vrcp.f32 v11;
	v13 =	vadd.f32 $-1.000000000e+00, v15;
	v15 =	vadd.f32 $-1.000000000e+00, v18;
	v17 =	vpop (erf)  }
0x34: {  	(erf) = vpow2.f32 v16;
	v12 =	vmul.f32 v12, v12;
	v16 =	vadd.f32 $-1.000000000e+00, v17;
	v17 =	vpop (erf)  }
0x35: {  	v13 =	vmul.f32 v13, v13;
	v14 =	vmul.f32 v15, v15;
	v15 =	vadd.f32 $-1.000000000e+00, v17;
	v17 =	vpop (erf)  }
0x36: {  	v20 =	vmul.f32 $-2.000000000e+00, v12;
	v21 =	vmul.f32 v16, v16;
	v12 =	vadd.f32 $-1.000000000e+00, v17;
	v17 =	vpop (erf)  }
0x37: {  	v22 =	vmul.f32 $-2.000000000e+00, v13;
	v16 =	vmul.f32 $-2.000000000e+00, v14;
	v13 =	vnsel vm4, $0x0, v17  }
0x38: {  	v18 =	vpop (erf);
	v19 =	vmul.f32 v15, v15;
	v15 =	vimm.f32 $0.0e+00;
	v14 =	vimm.f32 $0.0e+00  }
0x39: {  	s3 =	sadd.s32 $0x1600, s3;
	s4 =	simm.s32 $0x400;
	v23 =	vmul.f32 v12, v12;
	v12 =	vadd.f32 v13, v6;
	v17 =	vpop (erf);
	v13 =	vimm.f32 $0.0e+00  }
.LBB2_1:
0x3a: {  	v27 =	vmul.f32 $1.442695020e+00, v22  }
0x3b: {  	s5 =	sshra.s32 s4, $0x2;
	p0 =	sne.s32 s4, $0x1E00;
	s4 =	sadd.s32 $0x200, s4;
	v21 =	vmul.f32 $-2.000000000e+00, v21;
	v24 =	vpop (erf);
	v26 =	vnsel vm2, $0x0, v18;
	v29 =	vmul.f32 $1.442695020e+00, v20  }
0x3c: {  	v17 =	vnsel vm0, $0x0, v17;
	v25 =	vld [tilespmem:s5+$0x20];
	v23 =	vmul.f32 $-2.000000000e+00, v23;
	v6 =	vadd.f32 v26, v6;
	v18 =	vpop (erf)  }
0x3d: {  	v26 =	vld [tilespmem:s5+$0x10];
	v21 =	vmul.f32 $1.442695020e+00, v21;
	(erf) = vpow2.f32 v27;
	v22 =	vpop (erf)  }
0x3e: {  	v30 =	vnsel vm3, $0x0, v18;
	v27 =	vld [tilespmem:s5+$0x0];
	v31 =	vmul.f32 $1.442695020e+00, v23;
	(erf) = vpow2.f32 v29;
	v20 =	vpop (erf)  }
0x3f: {  	v28 =	vmovc v0;
	v19 =	vmul.f32 $-2.000000000e+00, v19;
	v24 =	vadd.f32 $-1.000000000e+00, v24;
	v15 =	vadd.f32 v17, v15;
	v17 =	vmovc v2;
	v0 =	vld [tilespmem:s5+$0x30]  }
0x40: {  	v18 =	vmovc v7;
	v22 =	vadd.f32 $-1.000000000e+00, v22;
	v14 =	vadd.f32 v30, v14;
	v29 =	vld [tilespmem:s5+$0x40];
	(erf) = vpow2.f32 v31;
	v23 =	vmovc v11  }
0x41: {  	v19 =	vmul.f32 $1.442695020e+00, v19;
	v7 =	vnsel vm1, $0x0, v20;
	v30 =	vld [tilespmem:s5+$0x50];
	(erf) = vrcp.f32 v25;
	v2 =	vmovc v25  }
0x42: {  	v11 =	vmul.f32 v24, v24;
	v13 =	vadd.f32 v7, v13;
	(erf) = vrcp.f32 v26  }
0x43: {  	vm0 =	vlt.f32 v3, $3.000000120e-01;
	v20 =	vmul.f32 v22, v22;
	(erf) = vrcp.f32 v27  }
0x44: {  	vm1 =	vlt.f32 v1, $3.000000120e-01;
	v22 =	vmul.f32 $-2.000000000e+00, v11;
	v1 =	vmovc v26;
	(erf) = vrcp.f32 v0  }
0x45: {  	v16 =	vmul.f32 $1.442695020e+00, v16;
	vm3 =	vlt.f32 v4, $3.000000120e-01;
	v7 =	vld [tilespmem:s5+$0x60];
	(erf) = vrcp.f32 v29;
	v3 =	vmovc v29  }
0x46: {  	vm2 =	vlt.f32 v5, $3.000000120e-01;
	v20 =	vmul.f32 $-2.000000000e+00, v20;
	(erf) = vrcp.f32 v30;
	v4 =	vpop (erf)  }
0x47: {  	v22 =	vmul.f32 $1.442695020e+00, v22;
	v11 =	vld [tilespmem:s5+$0x70];
	v24 =	vnsel vm2, $0x0, v4;
	v5 =	vpop (erf);
	(erf) = vpow2.f32 v16  }
0x48: {  	v4 =	vmovc v30;
	v10 =	vadd.f32 v24, v10;
	v16 =	vnsel vm1, $0x0, v5;
	(erf) = vpow2.f32 v21;
	v5 =	vmovc v27  }
0x49: {  	v9 =	vadd.f32 v16, v9;
	v16 =	vmul.f32 $1.442695020e+00, v20;
	(erf) = vpow2.f32 v19;
	v19 =	vpop (erf)  }
0x4a: {  	vm2 =	vlt.f32 v28, $3.000000120e-01;
	v20 =	vpop (erf);
	(erf) = vrcp.f32 v7;
	v19 =	vnsel vm3, $0x0, v19  }
0x4b: {  	vm4 =	vlt.f32 v17, $3.000000120e-01;
	v21 =	vpop (erf);
	v8 =	vadd.f32 v19, v8;
	(erf) = vpow2.f32 v16  }
0x4c: {  	vm1 =	vlt.f32 v18, $3.000000120e-01;
	v16 =	vadd.f32 $-1.000000000e+00, v21;
	v17 =	vpop (erf);
	(erf) = vrcp.f32 v11  }
0x4d: {  	v18 =	vadd.f32 $-1.000000000e+00, v20;
	v17 =	vadd.f32 $-1.000000000e+00, v17;
	v19 =	vpop (erf);
	(erf) = vpow2.f32 v22  }
.Ltmp0:
0x4e: {  	vm3 =	vlt.f32 v23, $3.000000120e-01;
	v16 =	vmul.f32 v16, v16;
	v25 =	vadd.f32 $-1.000000000e+00, v19;
	v20 =	vpop (erf);
	(pc) =	sbr.rel @p0 .LBB2_1-.Ltmp0, $4  }
0x4f: {  	v26 =	vmul.f32 v18, v18;
	v27 =	vmul.f32 v17, v17;
	v23 =	vadd.f32 $-1.000000000e+00, v20;
	v22 =	vpop (erf)  }
0x50: {  	v20 =	vmul.f32 $-2.000000000e+00, v16;
	v21 =	vmul.f32 v25, v25;
	v24 =	vadd.f32 $-1.000000000e+00, v22;
	v19 =	vpop (erf)  }
0x51: {  	v16 =	vmul.f32 $-2.000000000e+00, v26;
	v22 =	vmul.f32 $-2.000000000e+00, v27;
	v25 =	vnsel vm4, $0x0, v19;
	v18 =	vpop (erf)  }
0x52: {  	v19 =	vmul.f32 v23, v23;
	v23 =	vmul.f32 v24, v24;
	v12 =	vadd.f32 v25, v12;
	v17 =	vpop (erf)  }
0x53: {  	v22 =	vmul.f32 $1.442695020e+00, v22;
	v24 =	vpop (erf)  }
0x54: {  	v20 =	vmul.f32 $1.442695020e+00, v20;
	v21 =	vmul.f32 $-2.000000000e+00, v21;
	v25 =	vpop (erf)  }
0x55: {  	v16 =	vmul.f32 $1.442695020e+00, v16;
	v23 =	vmul.f32 $-2.000000000e+00, v23;
	v39 =	vpop (erf)  }
0x56: {  	v19 =	vmul.f32 $-2.000000000e+00, v19;
	(erf) = vpow2.f32 v22;
	v22 =	vadd.f32 $-1.000000000e+00, v39  }
0x57: {  	v41 =	vadd.f32 $-1.000000000e+00, v24;
	v21 =	vmul.f32 $1.442695020e+00, v21;
	(erf) = vpow2.f32 v20  }
0x58: {  	v40 =	vmul.f32 $1.442695020e+00, v23;
	v42 =	vmul.f32 v22, v22  }
0x59: {  	v43 =	vmul.f32 v41, v41;
	v19 =	vmul.f32 $1.442695020e+00, v19  }
0x5a: {  	(erf) = vpow2.f32 v40;
	v20 =	vmul.f32 $-2.000000000e+00, v42  }
0x5b: {  	v22 =	vmul.f32 $-2.000000000e+00, v43;
	(erf) = vpow2.f32 v16  }
0x5c: {  	(erf) = vpow2.f32 v21;
	v44 =	vmul.f32 $1.442695020e+00, v20  }
0x5d: {  	v45 =	vmul.f32 $1.442695020e+00, v22;
	(erf) = vpow2.f32 v19  }
0x5e: {  	(erf) = vpow2.f32 v44  }
0x5f: {  	v18 =	vnsel vm2, $0x0, v18;
	v17 =	vnsel vm0, $0x0, v17;
	(erf) = vpow2.f32 v45  }
0x60: {  	vm8 =	vlt.f32 v5, $3.000000120e-01;
	vm9 =	vlt.f32 v1, $3.000000120e-01;
	vm10 =	vlt.f32 v2, $3.000000120e-01;
	v46 =	vpop (erf)  }
0x61: {  	vm11 =	vlt.f32 v0, $3.000000120e-01;
	vm12 =	vlt.f32 v3, $3.000000120e-01;
	vm13 =	vlt.f32 v4, $3.000000120e-01;
	v47 =	vpop (erf)  }
0x62: {  	vm14 =	vlt.f32 v7, $3.000000120e-01;
	vm15 =	vlt.f32 v11, $3.000000120e-01;
	v49 =	vpop (erf);
	v51 =	vnsel vm8, $0x0, v47  }
0x63: {  	v6 =	vadd.f32 v18, v6;
	v1 =	vadd.f32 v51, v10;
	v52 =	vnsel vm9, $0x0, v49;
	v50 =	vpop (erf)  }
0x64: {  	v15 =	vadd.f32 v17, v15;
	v9 =	vadd.f32 v52, v9;
	v53 =	vpop (erf);
	v4 =	vnsel vm13, $0x0, v50  }
0x65: {  	v48 =	vnsel vm3, $0x0, v25;
	[tilespmem:$0x800] =	vst v1;
	v54 =	vnsel vm10, $0x0, v53;
	v55 =	vpop (erf);
	v60 =	vadd.f32 v4, v8  }
0x66: {  	v14 =	vadd.f32 v48, v14;
	[tilespmem:$0x810] =	vst v9;
	v0 =	vadd.f32 v54, v12;
	v56 =	vpop (erf);
	v2 =	vnsel vm11, $0x0, v55  }
0x67: {  	v16 =	vnsel vm1, $0x0, v46;
	v57 =	vadd.f32 v2, v6;
	v3 =	vnsel vm12, $0x0, v56;
	[tilespmem:$0x850] =	vst v60;
	v58 =	vpop (erf)  }
0x68: {  	v13 =	vadd.f32 v16, v13;
	v3 =	vadd.f32 v3, v15;
	[tilespmem:$0x820] =	vst v0;
	v59 =	vpop (erf);
	v62 =	vnsel vm15, $0x0, v58  }
0x69: {  	[tilespmem:$0x830] =	vst v57;
	v61 =	vnsel vm14, $0x0, v59;
	v1 =	vadd.f32 v62, v14  }
0x6a: {  	s4 =	sshll.u32 s1, $0x6;
	s2 =	sshll.u32 s2, $0x4;
	[tilespmem:$0x840] =	vst v3;
	v63 =	vadd.f32 v61, v13  }
0x6b: {  	s29 =	simm.s32 $0x0;
	s4 =	sand.u32 $0xC0, s4;
	s2 =	sadd.s32 s3, s2;
	[tilespmem:$0x870] =	vst v1  }
0x6c: {  	s30 =	simm.s32 $0x800;
	s31 =	simm.s32 $0x1;
	s2 =	sadd.s32 s4, s2;
	[tilespmem:$0x860] =	vst v63  }
0x6d: {  	[hbm4b:s2+s29] =	stream.linear.scatter [tilespmem:s30], [sflag:$0x1], $0x80, $0x38;
	[tilespmem:$0x880] =	vst v63  }
0x6e: {  	_ =	swait.ge [sflag:s31], $0x80  }
0x6f: {  	[sflag:s31] =	ssyncset.done $0x0  }
0x70: {  	[sflag:s31] =	ssyncadd.s32 $0xFFFFFF80  }
0x71: {  	_ =	sfence.sel $0x180000  }
0x72: {  	[bflag:$0x0] =	sbarrier.arrive $0xFFFF  }
0x73: {  	p0 =	sne.s32 s1, $0x0;
	_ =	strace $0x90000047  }
0x74: {  	s0 =	sadd.s32 @!p0 $0x100000, s0;
	[bflag:$0x2] =	sbarrier.arrive $0xFFFF  }
0x75: {  	[sflag:s0] =	ssyncadd.tile.s32 @!p0 $0x1;
	_ =	shalt  }
.Lfunc_end2:
_tile_overlayer_lowered:
.L_overlay_start_2:
0x76: {  	(tag) =	ssettag $0x2  }
0x77: {  	s0 =	rddreg [dreg:$0x0];
	s2 =	stileid.u32  }
0x78: {  	s1 =	rddreg [dreg:$0x1];
	p0 =	sne.s32 s2, $0x0  }
0x79: {  	s3 =	rddreg [dreg:$0x2];
	[bflag:$0x3] =	sbarrier.arrive $0xFFFF;
	s2 =	simm.s32 @!p0 $0x1C01  }
0x7a: {  	[timem:s3], [sflag:s2] =	dma.local @!p0 [hbm:s0], s1  }
0x7b: {  	s0 =	simm.s32 @!p0 $0x1  }
0x7c: {  	_ =	swait.ge @!p0 [sflag:s0], s1  }
0x7d: {  	s1 =	ssub.s32 @!p0 $0x0, s1;
	[sflag:s0] =	ssyncset.done @!p0 $0x0  }
0x7e: {  	[sflag:s0] =	ssyncadd.s32 @!p0 s1  }
0x7f: {  	[bflag:$0x3] =	sbarrier.arrive $0xFFFF  }
0x80: {  	_ =	shalt  }

</sc_bundles>
